<compile_context>
chip_gen: v7x
topology: tpu7x:2x2x1
jax: 0.10.2.dev20260603
libtpu: 0.0.44.dev20260713+nightly
codegen_flags: <defaults>
</compile_context>

<pallas_src>
import functools

import jax
import jax.numpy as jnp
from jax import lax
from jax.experimental import pallas as pl
from jax.experimental.pallas import tpu as pltpu
from jax.experimental.pallas import tpu_sc as plsc

F = 26
B = 16384
V = 100000
D = 32
ROWS = V + 1
R_TOT = F * D

NC = 2
NS = 16
L = 16
NW = NC * NS
RPW = R_TOT // NW
CHUNK = 4096
NCHUNK = B // CHUNK


def _emb_body(idx_hbm, tab_hbm, out_hbm, idx_v, slab_v, out_a, out_b, sem_s,
              sem_a, sem_b):
    wid = lax.axis_index("s") * NC + lax.axis_index("c")
    r0 = wid * RPW
    f0 = r0 // D
    n0 = jnp.minimum(RPW, (f0 + 1) * D - r0)

    def row_body(r, warm):
        pltpu.async_copy(tab_hbm.at[r], slab_v, sem_s).wait()

        def pair_body(j, w):
            for half, (buf, sem) in enumerate(
                ((out_a, sem_a), (out_b, sem_b))):
                coff = (2 * j + half) * CHUNK
                dst = out_hbm.at[r, pl.ds(coff, CHUNK)]

                @pl.when(w > 0)
                def _():
                    pltpu.make_async_copy(buf, dst, sem).wait()

                @plsc.parallel_loop(0, CHUNK // L, unroll=8)
                def _(k):
                    vi = idx_v[pl.ds(coff + k * L, L)]
                    buf[pl.ds(k * L, L)] = plsc.load_gather(slab_v, [vi + 1])
                pltpu.async_copy(buf, dst, sem)
            return jnp.int32(1)

        return lax.fori_loop(0, NCHUNK // 2, pair_body, warm)

    pltpu.sync_copy(idx_hbm.at[f0], idx_v)
    s1 = lax.fori_loop(r0, r0 + n0, row_body, jnp.int32(0))

    @pl.when(n0 < RPW)
    def _():
        pltpu.sync_copy(idx_hbm.at[f0 + 1], idx_v)

    lax.fori_loop(r0 + n0, r0 + RPW, row_body, s1)

    last = r0 + RPW - 1
    pltpu.make_async_copy(
        out_a, out_hbm.at[last, pl.ds((NCHUNK - 2) * CHUNK, CHUNK)], sem_a
    ).wait()
    pltpu.make_async_copy(
        out_b, out_hbm.at[last, pl.ds((NCHUNK - 1) * CHUNK, CHUNK)], sem_b
    ).wait()


def kernel(indices, tables):
    tab2 = jnp.transpose(tables, (0, 2, 1)).reshape(R_TOT, ROWS)
    mesh = plsc.VectorSubcoreMesh(core_axis_name="c", subcore_axis_name="s")
    emb = functools.partial(
        pl.kernel,
        mesh=mesh,
        compiler_params=pltpu.CompilerParams(needs_layout_passes=False),
        out_type=jax.ShapeDtypeStruct((R_TOT, B), jnp.float32),
        scratch_types=[
            pltpu.VMEM((B,), jnp.int32),
            pltpu.VMEM((ROWS,), jnp.float32),
            pltpu.VMEM((CHUNK,), jnp.float32),
            pltpu.VMEM((CHUNK,), jnp.float32),
            pltpu.SemaphoreType.DMA,
            pltpu.SemaphoreType.DMA,
            pltpu.SemaphoreType.DMA,
        ],
    )(_emb_body)
    out = emb(indices, tab2)
    return out.T

# --- scband reference (transcript-rebuilt; emitter-appended) ---
"""Pipeline reference for scband-pub-model-38010460570531 (READ-ONLY COPY).

The authoritative reference and input builder live on the scoring server;
editing this copy changes nothing except your own understanding.
"""

import jax, jax.numpy as jnp
import numpy as np

F = 26       # n_sparse_fields
B = 16384    # batch
V = 100000   # vocab size per feature
D = 32       # embedding_dimension


def setup_inputs(seed: int = 0) -> dict:
    key = jax.random.key(seed)
    k1, k2 = jax.random.split(key)
    # inputs dict {feature_name: int ids [B]} flattened into a single [F, B] tensor
    indices = jax.random.randint(k1, (F, B), 0, V)
    # one Embedding table per feature, size (len(vocab)+1, D) for the OOV row at index 0
    tables = jax.random.normal(k2, (F, V + 1, D), dtype=jnp.float32) * 0.05
    return {"indices": indices, "tables": tables}


def reference(indices, tables):
    # IntegerLookup with vocabulary = arange(V), mask_token=None, num_oov_indices=1:
    # known id v maps to index v + 1; OOV maps to 0. All generated ids are in-vocab.
    idx = indices + 1                                    # [F, B]
    # per-feature embedding lookup (gather)
    emb = jax.vmap(lambda t, i: jnp.take(t, i, axis=0))(tables, idx)  # [F, B, D]
    # tf.concat([...], axis=1) over features -> [B, F*D]
    out = jnp.transpose(emb, (1, 0, 2)).reshape(indices.shape[1], F * D)
    return out

if __name__ == "__main__":
    import jax
    _d = setup_inputs()
    print(jax.jit(kernel)(*tuple(_d.values())))

</pallas_src>

<mosaic_0001>
#map = affine_map<(d0, d1) -> (0, 0)>
module attributes {stable_mosaic.version = 14 : i64} {
  func.func @_emb_body(%arg0: i32, %arg1: i32, %arg2: memref<26x16384xi32, #tpu.memory_space<hbm>>, %arg3: memref<832x100001xf32, #tpu.memory_space<hbm>>, %arg4: memref<832x16384xf32, #tpu.memory_space<hbm>>, %arg5: memref<16384xi32, #tpu.memory_space<vmem>>, %arg6: memref<100001xf32, #tpu.memory_space<vmem>>, %arg7: memref<4096xf32, #tpu.memory_space<vmem>>, %arg8: memref<4096xf32, #tpu.memory_space<vmem>>, %arg9: memref<!tpu.dma_semaphore, #tpu.memory_space<semaphore_mem>>, %arg10: memref<!tpu.dma_semaphore, #tpu.memory_space<semaphore_mem>>, %arg11: memref<!tpu.dma_semaphore, #tpu.memory_space<semaphore_mem>>) attributes {dimension_semantics = [#tpu.dimension_semantics<core_parallel>, #tpu.dimension_semantics<subcore_parallel>], iteration_bounds = array<i64: 2, 16>, scalar_prefetch = 0 : i64, scratch_operands = 7 : i64, tpu.core_type = #tpu.core_type<sc_vector_subcore>, window_params = [{transform_indices = #map}, {transform_indices = #map}, {transform_indices = #map}]} {
    %mul3A = arith.constant 2 : i32
    %mul3A_0 = arith.muli %arg1, %mul3A : i32
    %add3A = arith.addi %mul3A_0, %arg0 : i32
    %mul3A_1 = arith.constant 26 : i32
    %mul3A_2 = arith.muli %add3A, %mul3A_1 : i32
    %jit3A = arith.constant 32 : i32
    %div3A = arith.divsi %mul3A_2, %jit3A : i32
    %sign3A = arith.constant 0 : i32
    %sign3A_3 = arith.cmpi sgt, %mul3A_2, %sign3A : i32
    %sign3A_4 = arith.extui %sign3A_3 : i1 to i32
    %sign3A_5 = arith.constant 0 : i32
    %sign3A_6 = arith.cmpi slt, %mul3A_2, %sign3A_5 : i32
    %sign3A_7 = arith.extui %sign3A_6 : i1 to i32
    %sign3A_8 = arith.subi %sign3A_4, %sign3A_7 : i32
    %sign3A_9 = arith.constant 0 : i32
    %sign3A_10 = arith.cmpi sgt, %jit3A, %sign3A_9 : i32
    %sign3A_11 = arith.extui %sign3A_10 : i1 to i32
    %sign3A_12 = arith.constant 0 : i32
    %sign3A_13 = arith.cmpi slt, %jit3A, %sign3A_12 : i32
    %sign3A_14 = arith.extui %sign3A_13 : i1 to i32
    %sign3A_15 = arith.subi %sign3A_11, %sign3A_14 : i32
    %ne3A = arith.cmpi ne, %sign3A_8, %sign3A_15 : i32
    %rem3A = arith.remsi %mul3A_2, %jit3A : i32
    %ne3A_16 = arith.constant 0 : i32
    %ne3A_17 = arith.cmpi ne, %rem3A, %ne3A_16 : i32
    %and3A = arith.andi %ne3A, %ne3A_17 : i1
    %sub3A = arith.constant 1 : i32
    %sub3A_18 = arith.subi %div3A, %sub3A : i32
    %select_n3A = arith.select %and3A, %sub3A_18, %div3A : i32
    %add3A_19 = arith.constant 1 : i32
    %add3A_20 = arith.addi %select_n3A, %add3A_19 : i32
    %mul3A_21 = arith.constant 32 : i32
    %mul3A_22 = arith.muli %add3A_20, %mul3A_21 : i32
    %sub3A_23 = arith.subi %mul3A_22, %mul3A_2 : i32
    %min3A = arith.constant 26 : i32
    %min3A_24 = arith.minsi %min3A, %sub3A_23 : i32
    "tpu.region"() ({
      %run_scoped3A = tpu.sem_alloc : memref<!tpu.dma_semaphore, #tpu.memory_space<semaphore_mem>>
      %dma_start3A = arith.constant 0 : i32
      %dma_start3A_66 = tpu.memref_slice %arg2[%select_n3A, %dma_start3A] : memref<26x16384xi32, #tpu.memory_space<hbm>> -> memref<1x16384xi32, #tpu.memory_space<hbm>>
      %dma_start3A_67 = tpu.memref_squeeze %dma_start3A_66 : memref<1x16384xi32, #tpu.memory_space<hbm>> -> memref<16384xi32, #tpu.memory_space<hbm>>
      %dma_start3A_68 = arith.constant 0 : i32
      %dma_start3A_69 = tpu.memref_slice %arg2[%select_n3A, %dma_start3A_68] : memref<26x16384xi32, #tpu.memory_space<hbm>> -> memref<1x16384xi32, #tpu.memory_space<hbm>>
      %dma_start3A_70 = tpu.memref_squeeze %dma_start3A_69 : memref<1x16384xi32, #tpu.memory_space<hbm>> -> memref<16384xi32, #tpu.memory_space<hbm>>
      tpu.enqueue_dma source(%dma_start3A_70 : memref<16384xi32, #tpu.memory_space<hbm>>) target(%arg5 : memref<16384xi32, #tpu.memory_space<vmem>>) target_semaphore(%run_scoped3A : memref<!tpu.dma_semaphore, #tpu.memory_space<semaphore_mem>>)
      %dma_wait3A_71 = arith.constant 0 : i32
      %dma_wait3A_72 = tpu.memref_slice %arg2[%select_n3A, %dma_wait3A_71] : memref<26x16384xi32, #tpu.memory_space<hbm>> -> memref<1x16384xi32, #tpu.memory_space<hbm>>
      %dma_wait3A_73 = tpu.memref_squeeze %dma_wait3A_72 : memref<1x16384xi32, #tpu.memory_space<hbm>> -> memref<16384xi32, #tpu.memory_space<hbm>>
      %dma_wait3A_74 = arith.constant 0 : i32
      %dma_wait3A_75 = tpu.memref_slice %arg2[%select_n3A, %dma_wait3A_74] : memref<26x16384xi32, #tpu.memory_space<hbm>> -> memref<1x16384xi32, #tpu.memory_space<hbm>>
      %dma_wait3A_76 = tpu.memref_squeeze %dma_wait3A_75 : memref<1x16384xi32, #tpu.memory_space<hbm>> -> memref<16384xi32, #tpu.memory_space<hbm>>
      tpu.wait_dma2 semaphore(%run_scoped3A : memref<!tpu.dma_semaphore, #tpu.memory_space<semaphore_mem>>) src(%dma_wait3A_76 : memref<16384xi32, #tpu.memory_space<hbm>>) dst(%arg5 : memref<16384xi32, #tpu.memory_space<vmem>>)
      tpu.yield
    }) : () -> ()
    %add3A_25 = arith.addi %mul3A_2, %min3A_24 : i32
    %while3A = arith.constant 0 : i32
    %while3A_26 = arith.subi %add3A_25, %mul3A_2 : i32
    %while3A_27 = arith.addi %mul3A_2, %while3A_26 : i32
    %while3A_28 = arith.constant 1 : i32
    %while3A_29 = arith.divsi %while3A_26, %while3A_28 : i32
    %while3A_30 = arith.muli %while3A_29, %while3A_28 : i32
    %while3A_31 = arith.addi %mul3A_2, %while3A_30 : i32
    %while3A_32 = arith.constant 1 : i32
    %while3A_33 = scf.for %while3A_66 = %mul3A_2 to %while3A_31 step %while3A_32 iter_args(%while3A_67 = %while3A) -> (i32)  : i32 {
      %dma_start3A = arith.constant 0 : i32
      %dma_start3A_68 = tpu.memref_slice %arg3[%while3A_66, %dma_start3A] : memref<832x100001xf32, #tpu.memory_space<hbm>> -> memref<1x100001xf32, #tpu.memory_space<hbm>>
      %dma_start3A_69 = tpu.memref_squeeze %dma_start3A_68 : memref<1x100001xf32, #tpu.memory_space<hbm>> -> memref<100001xf32, #tpu.memory_space<hbm>>
      %dma_start3A_70 = arith.constant 0 : i32
      %dma_start3A_71 = tpu.memref_slice %arg3[%while3A_66, %dma_start3A_70] : memref<832x100001xf32, #tpu.memory_space<hbm>> -> memref<1x100001xf32, #tpu.memory_space<hbm>>
      %dma_start3A_72 = tpu.memref_squeeze %dma_start3A_71 : memref<1x100001xf32, #tpu.memory_space<hbm>> -> memref<100001xf32, #tpu.memory_space<hbm>>
      tpu.enqueue_dma source(%dma_start3A_72 : memref<100001xf32, #tpu.memory_space<hbm>>) target(%arg6 : memref<100001xf32, #tpu.memory_space<vmem>>) target_semaphore(%arg9 : memref<!tpu.dma_semaphore, #tpu.memory_space<semaphore_mem>>)
      %dma_wait3A_73 = arith.constant 0 : i32
      %dma_wait3A_74 = tpu.memref_slice %arg3[%while3A_66, %dma_wait3A_73] : memref<832x100001xf32, #tpu.memory_space<hbm>> -> memref<1x100001xf32, #tpu.memory_space<hbm>>
      %dma_wait3A_75 = tpu.memref_squeeze %dma_wait3A_74 : memref<1x100001xf32, #tpu.memory_space<hbm>> -> memref<100001xf32, #tpu.memory_space<hbm>>
      %dma_wait3A_76 = arith.constant 0 : i32
      %dma_wait3A_77 = tpu.memref_slice %arg3[%while3A_66, %dma_wait3A_76] : memref<832x100001xf32, #tpu.memory_space<hbm>> -> memref<1x100001xf32, #tpu.memory_space<hbm>>
      %dma_wait3A_78 = tpu.memref_squeeze %dma_wait3A_77 : memref<1x100001xf32, #tpu.memory_space<hbm>> -> memref<100001xf32, #tpu.memory_space<hbm>>
      tpu.wait_dma2 semaphore(%arg9 : memref<!tpu.dma_semaphore, #tpu.memory_space<semaphore_mem>>) src(%dma_wait3A_78 : memref<100001xf32, #tpu.memory_space<hbm>>) dst(%arg6 : memref<100001xf32, #tpu.memory_space<vmem>>)
      %scan3A = arith.constant 0 : i32
      %scan3A_79 = arith.constant 2 : i32
      %scan3A_80 = arith.addi %scan3A, %scan3A_79 : i32
      %scan3A_81 = arith.constant 1 : i32
      %scan3A_82 = scf.for %scan3A_84 = %scan3A to %scan3A_80 step %scan3A_81 iter_args(%scan3A_85 = %while3A_67) -> (i32)  : i32 {
        %mul3A_86 = arith.constant 2 : i32
        %mul3A_87 = arith.muli %mul3A_86, %scan3A_84 : i32
        %add3A_88 = arith.constant 0 : i32
        %add3A_89 = arith.addi %mul3A_87, %add3A_88 : i32
        %mul3A_90 = arith.constant 4096 : i32
        %mul3A_91 = arith.muli %add3A_89, %mul3A_90 : i32
        %gt3A = arith.constant 0 : i32
        %gt3A_92 = arith.cmpi sgt, %scan3A_85, %gt3A : i32
        %convert_element_type3A_93 = arith.extui %gt3A_92 : i1 to i32
        %cond3A_94 = arith.constant 0 : i32
        %cond3A_95 = arith.cmpi ne, %convert_element_type3A_93, %cond3A_94 : i32
        scf.if %cond3A_95 {
          %dma_wait3A_121 = tpu.memref_slice %arg4[%while3A_66, %mul3A_91] : memref<832x16384xf32, #tpu.memory_space<hbm>> -> memref<1x4096xf32, #tpu.memory_space<hbm>>
          %dma_wait3A_122 = tpu.memref_squeeze %dma_wait3A_121 : memref<1x4096xf32, #tpu.memory_space<hbm>> -> memref<4096xf32, #tpu.memory_space<hbm>>
          %dma_wait3A_123 = tpu.memref_slice %arg4[%while3A_66, %mul3A_91] : memref<832x16384xf32, #tpu.memory_space<hbm>> -> memref<1x4096xf32, #tpu.memory_space<hbm>>
          %dma_wait3A_124 = tpu.memref_squeeze %dma_wait3A_123 : memref<1x4096xf32, #tpu.memory_space<hbm>> -> memref<4096xf32, #tpu.memory_space<hbm>>
          tpu.wait_dma2 semaphore(%arg10 : memref<!tpu.dma_semaphore, #tpu.memory_space<semaphore_mem>>) src(%arg7 : memref<4096xf32, #tpu.memory_space<vmem>>) dst(%dma_wait3A_124 : memref<4096xf32, #tpu.memory_space<hbm>>)
        } else {
        }
        %parallel_loop3A = arith.constant 0 : i32
        %parallel_loop3A_96 = arith.constant 256 : i32
        %parallel_loop3A_97 = arith.constant 1 : i32
        scf.for %parallel_loop3A_121 = %parallel_loop3A to %parallel_loop3A_96 step %parallel_loop3A_97  : i32 {
          %parallel_loop3A_122 = arith.constant 16 : i32
          %parallel_loop3A_123 = arith.muli %parallel_loop3A_121, %parallel_loop3A_122 : i32
          %parallel_loop3A_124 = arith.addi %mul3A_91, %parallel_loop3A_123 : i32
          %parallel_loop3A_125 = arith.index_cast %parallel_loop3A_124 : i32 to index
          %parallel_loop3A_126 = tpu.vector_load %arg5[%parallel_loop3A_125] {strides = array<i32>} : memref<16384xi32, #tpu.memory_space<vmem>>, vector<16xi32>,
          %parallel_loop3A_127 = arith.constant 1 : i32
          %parallel_loop3A_128 = vector.broadcast %parallel_loop3A_127 : i32 to vector<16xi32>
          %parallel_loop3A_129 = arith.addi %parallel_loop3A_126, %parallel_loop3A_128 : vector<16xi32>
          %parallel_loop3A_130 = tpu.vector_load_idx %arg6[%parallel_loop3A_129] : memref<100001xf32, #tpu.memory_space<vmem>>[vector<16xi32>], vector<16xf32>,
          %parallel_loop3A_131 = arith.constant 16 : i32
          %parallel_loop3A_132 = arith.muli %parallel_loop3A_121, %parallel_loop3A_131 : i32
          %parallel_loop3A_133 = arith.index_cast %parallel_loop3A_132 : i32 to index
          %parallel_loop3A_134 = tpu.vector_load %arg7[%parallel_loop3A_133] {strides = array<i32>} : memref<4096xf32, #tpu.memory_space<vmem>>, vector<16xf32>,
          tpu.vector_store %arg7[%parallel_loop3A_133], %parallel_loop3A_130 {strides = array<i32>} : memref<4096xf32, #tpu.memory_space<vmem>>, vector<16xf32>,
        } {sc.loop_unroll_factor = 8 : i64, sc.parallel_access}
        %dma_start3A_98 = tpu.memref_slice %arg4[%while3A_66, %mul3A_91] : memref<832x16384xf32, #tpu.memory_space<hbm>> -> memref<1x4096xf32, #tpu.memory_space<hbm>>
        %dma_start3A_99 = tpu.memref_squeeze %dma_start3A_98 : memref<1x4096xf32, #tpu.memory_space<hbm>> -> memref<4096xf32, #tpu.memory_space<hbm>>
        %dma_start3A_100 = tpu.memref_slice %arg4[%while3A_66, %mul3A_91] : memref<832x16384xf32, #tpu.memory_space<hbm>> -> memref<1x4096xf32, #tpu.memory_space<hbm>>
        %dma_start3A_101 = tpu.memref_squeeze %dma_start3A_100 : memref<1x4096xf32, #tpu.memory_space<hbm>> -> memref<4096xf32, #tpu.memory_space<hbm>>
        tpu.enqueue_dma source(%arg7 : memref<4096xf32, #tpu.memory_space<vmem>>) target(%dma_start3A_101 : memref<4096xf32, #tpu.memory_space<hbm>>) target_semaphore(%arg10 : memref<!tpu.dma_semaphore, #tpu.memory_space<semaphore_mem>>)
        %mul3A_102 = arith.constant 2 : i32
        %mul3A_103 = arith.muli %mul3A_102, %scan3A_84 : i32
        %add3A_104 = arith.constant 1 : i32
        %add3A_105 = arith.addi %mul3A_103, %add3A_104 : i32
        %mul3A_106 = arith.constant 4096 : i32
        %mul3A_107 = arith.muli %add3A_105, %mul3A_106 : i32
        %gt3A_108 = arith.constant 0 : i32
        %gt3A_109 = arith.cmpi sgt, %scan3A_85, %gt3A_108 : i32
        %convert_element_type3A_110 = arith.extui %gt3A_109 : i1 to i32
        %cond3A_111 = arith.constant 0 : i32
        %cond3A_112 = arith.cmpi ne, %convert_element_type3A_110, %cond3A_111 : i32
        scf.if %cond3A_112 {
          %dma_wait3A_121 = tpu.memref_slice %arg4[%while3A_66, %mul3A_107] : memref<832x16384xf32, #tpu.memory_space<hbm>> -> memref<1x4096xf32, #tpu.memory_space<hbm>>
          %dma_wait3A_122 = tpu.memref_squeeze %dma_wait3A_121 : memref<1x4096xf32, #tpu.memory_space<hbm>> -> memref<4096xf32, #tpu.memory_space<hbm>>
          %dma_wait3A_123 = tpu.memref_slice %arg4[%while3A_66, %mul3A_107] : memref<832x16384xf32, #tpu.memory_space<hbm>> -> memref<1x4096xf32, #tpu.memory_space<hbm>>
          %dma_wait3A_124 = tpu.memref_squeeze %dma_wait3A_123 : memref<1x4096xf32, #tpu.memory_space<hbm>> -> memref<4096xf32, #tpu.memory_space<hbm>>
          tpu.wait_dma2 semaphore(%arg11 : memref<!tpu.dma_semaphore, #tpu.memory_space<semaphore_mem>>) src(%arg8 : memref<4096xf32, #tpu.memory_space<vmem>>) dst(%dma_wait3A_124 : memref<4096xf32, #tpu.memory_space<hbm>>)
        } else {
        }
        %parallel_loop3A_113 = arith.constant 0 : i32
        %parallel_loop3A_114 = arith.constant 256 : i32
        %parallel_loop3A_115 = arith.constant 1 : i32
        scf.for %parallel_loop3A_121 = %parallel_loop3A_113 to %parallel_loop3A_114 step %parallel_loop3A_115  : i32 {
          %parallel_loop3A_122 = arith.constant 16 : i32
          %parallel_loop3A_123 = arith.muli %parallel_loop3A_121, %parallel_loop3A_122 : i32
          %parallel_loop3A_124 = arith.addi %mul3A_107, %parallel_loop3A_123 : i32
          %parallel_loop3A_125 = arith.index_cast %parallel_loop3A_124 : i32 to index
          %parallel_loop3A_126 = tpu.vector_load %arg5[%parallel_loop3A_125] {strides = array<i32>} : memref<16384xi32, #tpu.memory_space<vmem>>, vector<16xi32>,
          %parallel_loop3A_127 = arith.constant 1 : i32
          %parallel_loop3A_128 = vector.broadcast %parallel_loop3A_127 : i32 to vector<16xi32>
          %parallel_loop3A_129 = arith.addi %parallel_loop3A_126, %parallel_loop3A_128 : vector<16xi32>
          %parallel_loop3A_130 = tpu.vector_load_idx %arg6[%parallel_loop3A_129] : memref<100001xf32, #tpu.memory_space<vmem>>[vector<16xi32>], vector<16xf32>,
          %parallel_loop3A_131 = arith.constant 16 : i32
          %parallel_loop3A_132 = arith.muli %parallel_loop3A_121, %parallel_loop3A_131 : i32
          %parallel_loop3A_133 = arith.index_cast %parallel_loop3A_132 : i32 to index
          %parallel_loop3A_134 = tpu.vector_load %arg8[%parallel_loop3A_133] {strides = array<i32>} : memref<4096xf32, #tpu.memory_space<vmem>>, vector<16xf32>,
          tpu.vector_store %arg8[%parallel_loop3A_133], %parallel_loop3A_130 {strides = array<i32>} : memref<4096xf32, #tpu.memory_space<vmem>>, vector<16xf32>,
        } {sc.loop_unroll_factor = 8 : i64, sc.parallel_access}
        %dma_start3A_116 = tpu.memref_slice %arg4[%while3A_66, %mul3A_107] : memref<832x16384xf32, #tpu.memory_space<hbm>> -> memref<1x4096xf32, #tpu.memory_space<hbm>>
        %dma_start3A_117 = tpu.memref_squeeze %dma_start3A_116 : memref<1x4096xf32, #tpu.memory_space<hbm>> -> memref<4096xf32, #tpu.memory_space<hbm>>
        %dma_start3A_118 = tpu.memref_slice %arg4[%while3A_66, %mul3A_107] : memref<832x16384xf32, #tpu.memory_space<hbm>> -> memref<1x4096xf32, #tpu.memory_space<hbm>>
        %dma_start3A_119 = tpu.memref_squeeze %dma_start3A_118 : memref<1x4096xf32, #tpu.memory_space<hbm>> -> memref<4096xf32, #tpu.memory_space<hbm>>
        tpu.enqueue_dma source(%arg8 : memref<4096xf32, #tpu.memory_space<vmem>>) target(%dma_start3A_119 : memref<4096xf32, #tpu.memory_space<hbm>>) target_semaphore(%arg11 : memref<!tpu.dma_semaphore, #tpu.memory_space<semaphore_mem>>)
        %scan3A_120 = arith.constant 1 : i32
        scf.yield %scan3A_120 : i32
      }
      %scan3A_83 = arith.constant 2 : i32
      scf.yield %scan3A_82 : i32
    }
    %while3A_34 = arith.constant 1 : i32
    %while3A_35 = scf.for %while3A_66 = %while3A_31 to %while3A_27 step %while3A_34 iter_args(%while3A_67 = %while3A_33) -> (i32)  : i32 {
      %dma_start3A = arith.constant 0 : i32
      %dma_start3A_68 = tpu.memref_slice %arg3[%while3A_66, %dma_start3A] : memref<832x100001xf32, #tpu.memory_space<hbm>> -> memref<1x100001xf32, #tpu.memory_space<hbm>>
      %dma_start3A_69 = tpu.memref_squeeze %dma_start3A_68 : memref<1x100001xf32, #tpu.memory_space<hbm>> -> memref<100001xf32, #tpu.memory_space<hbm>>
      %dma_start3A_70 = arith.constant 0 : i32
      %dma_start3A_71 = tpu.memref_slice %arg3[%while3A_66, %dma_start3A_70] : memref<832x100001xf32, #tpu.memory_space<hbm>> -> memref<1x100001xf32, #tpu.memory_space<hbm>>
      %dma_start3A_72 = tpu.memref_squeeze %dma_start3A_71 : memref<1x100001xf32, #tpu.memory_space<hbm>> -> memref<100001xf32, #tpu.memory_space<hbm>>
      tpu.enqueue_dma source(%dma_start3A_72 : memref<100001xf32, #tpu.memory_space<hbm>>) target(%arg6 : memref<100001xf32, #tpu.memory_space<vmem>>) target_semaphore(%arg9 : memref<!tpu.dma_semaphore, #tpu.memory_space<semaphore_mem>>)
      %dma_wait3A_73 = arith.constant 0 : i32
      %dma_wait3A_74 = tpu.memref_slice %arg3[%while3A_66, %dma_wait3A_73] : memref<832x100001xf32, #tpu.memory_space<hbm>> -> memref<1x100001xf32, #tpu.memory_space<hbm>>
      %dma_wait3A_75 = tpu.memref_squeeze %dma_wait3A_74 : memref<1x100001xf32, #tpu.memory_space<hbm>> -> memref<100001xf32, #tpu.memory_space<hbm>>
      %dma_wait3A_76 = arith.constant 0 : i32
      %dma_wait3A_77 = tpu.memref_slice %arg3[%while3A_66, %dma_wait3A_76] : memref<832x100001xf32, #tpu.memory_space<hbm>> -> memref<1x100001xf32, #tpu.memory_space<hbm>>
      %dma_wait3A_78 = tpu.memref_squeeze %dma_wait3A_77 : memref<1x100001xf32, #tpu.memory_space<hbm>> -> memref<100001xf32, #tpu.memory_space<hbm>>
      tpu.wait_dma2 semaphore(%arg9 : memref<!tpu.dma_semaphore, #tpu.memory_space<semaphore_mem>>) src(%dma_wait3A_78 : memref<100001xf32, #tpu.memory_space<hbm>>) dst(%arg6 : memref<100001xf32, #tpu.memory_space<vmem>>)
      %scan3A = arith.constant 0 : i32
      %scan3A_79 = arith.constant 2 : i32
      %scan3A_80 = arith.addi %scan3A, %scan3A_79 : i32
      %scan3A_81 = arith.constant 1 : i32
      %scan3A_82 = scf.for %scan3A_84 = %scan3A to %scan3A_80 step %scan3A_81 iter_args(%scan3A_85 = %while3A_67) -> (i32)  : i32 {
        %mul3A_86 = arith.constant 2 : i32
        %mul3A_87 = arith.muli %mul3A_86, %scan3A_84 : i32
        %add3A_88 = arith.constant 0 : i32
        %add3A_89 = arith.addi %mul3A_87, %add3A_88 : i32
        %mul3A_90 = arith.constant 4096 : i32
        %mul3A_91 = arith.muli %add3A_89, %mul3A_90 : i32
        %gt3A = arith.constant 0 : i32
        %gt3A_92 = arith.cmpi sgt, %scan3A_85, %gt3A : i32
        %convert_element_type3A_93 = arith.extui %gt3A_92 : i1 to i32
        %cond3A_94 = arith.constant 0 : i32
        %cond3A_95 = arith.cmpi ne, %convert_element_type3A_93, %cond3A_94 : i32
        scf.if %cond3A_95 {
          %dma_wait3A_121 = tpu.memref_slice %arg4[%while3A_66, %mul3A_91] : memref<832x16384xf32, #tpu.memory_space<hbm>> -> memref<1x4096xf32, #tpu.memory_space<hbm>>
          %dma_wait3A_122 = tpu.memref_squeeze %dma_wait3A_121 : memref<1x4096xf32, #tpu.memory_space<hbm>> -> memref<4096xf32, #tpu.memory_space<hbm>>
          %dma_wait3A_123 = tpu.memref_slice %arg4[%while3A_66, %mul3A_91] : memref<832x16384xf32, #tpu.memory_space<hbm>> -> memref<1x4096xf32, #tpu.memory_space<hbm>>
          %dma_wait3A_124 = tpu.memref_squeeze %dma_wait3A_123 : memref<1x4096xf32, #tpu.memory_space<hbm>> -> memref<4096xf32, #tpu.memory_space<hbm>>
          tpu.wait_dma2 semaphore(%arg10 : memref<!tpu.dma_semaphore, #tpu.memory_space<semaphore_mem>>) src(%arg7 : memref<4096xf32, #tpu.memory_space<vmem>>) dst(%dma_wait3A_124 : memref<4096xf32, #tpu.memory_space<hbm>>)
        } else {
        }
        %parallel_loop3A = arith.constant 0 : i32
        %parallel_loop3A_96 = arith.constant 256 : i32
        %parallel_loop3A_97 = arith.constant 1 : i32
        scf.for %parallel_loop3A_121 = %parallel_loop3A to %parallel_loop3A_96 step %parallel_loop3A_97  : i32 {
          %parallel_loop3A_122 = arith.constant 16 : i32
          %parallel_loop3A_123 = arith.muli %parallel_loop3A_121, %parallel_loop3A_122 : i32
          %parallel_loop3A_124 = arith.addi %mul3A_91, %parallel_loop3A_123 : i32
          %parallel_loop3A_125 = arith.index_cast %parallel_loop3A_124 : i32 to index
          %parallel_loop3A_126 = tpu.vector_load %arg5[%parallel_loop3A_125] {strides = array<i32>} : memref<16384xi32, #tpu.memory_space<vmem>>, vector<16xi32>,
          %parallel_loop3A_127 = arith.constant 1 : i32
          %parallel_loop3A_128 = vector.broadcast %parallel_loop3A_127 : i32 to vector<16xi32>
          %parallel_loop3A_129 = arith.addi %parallel_loop3A_126, %parallel_loop3A_128 : vector<16xi32>
          %parallel_loop3A_130 = tpu.vector_load_idx %arg6[%parallel_loop3A_129] : memref<100001xf32, #tpu.memory_space<vmem>>[vector<16xi32>], vector<16xf32>,
          %parallel_loop3A_131 = arith.constant 16 : i32
          %parallel_loop3A_132 = arith.muli %parallel_loop3A_121, %parallel_loop3A_131 : i32
          %parallel_loop3A_133 = arith.index_cast %parallel_loop3A_132 : i32 to index
          %parallel_loop3A_134 = tpu.vector_load %arg7[%parallel_loop3A_133] {strides = array<i32>} : memref<4096xf32, #tpu.memory_space<vmem>>, vector<16xf32>,
          tpu.vector_store %arg7[%parallel_loop3A_133], %parallel_loop3A_130 {strides = array<i32>} : memref<4096xf32, #tpu.memory_space<vmem>>, vector<16xf32>,
        } {sc.loop_unroll_factor = 8 : i64, sc.parallel_access}
        %dma_start3A_98 = tpu.memref_slice %arg4[%while3A_66, %mul3A_91] : memref<832x16384xf32, #tpu.memory_space<hbm>> -> memref<1x4096xf32, #tpu.memory_space<hbm>>
        %dma_start3A_99 = tpu.memref_squeeze %dma_start3A_98 : memref<1x4096xf32, #tpu.memory_space<hbm>> -> memref<4096xf32, #tpu.memory_space<hbm>>
        %dma_start3A_100 = tpu.memref_slice %arg4[%while3A_66, %mul3A_91] : memref<832x16384xf32, #tpu.memory_space<hbm>> -> memref<1x4096xf32, #tpu.memory_space<hbm>>
        %dma_start3A_101 = tpu.memref_squeeze %dma_start3A_100 : memref<1x4096xf32, #tpu.memory_space<hbm>> -> memref<4096xf32, #tpu.memory_space<hbm>>
        tpu.enqueue_dma source(%arg7 : memref<4096xf32, #tpu.memory_space<vmem>>) target(%dma_start3A_101 : memref<4096xf32, #tpu.memory_space<hbm>>) target_semaphore(%arg10 : memref<!tpu.dma_semaphore, #tpu.memory_space<semaphore_mem>>)
        %mul3A_102 = arith.constant 2 : i32
        %mul3A_103 = arith.muli %mul3A_102, %scan3A_84 : i32
        %add3A_104 = arith.constant 1 : i32
        %add3A_105 = arith.addi %mul3A_103, %add3A_104 : i32
        %mul3A_106 = arith.constant 4096 : i32
        %mul3A_107 = arith.muli %add3A_105, %mul3A_106 : i32
        %gt3A_108 = arith.constant 0 : i32
        %gt3A_109 = arith.cmpi sgt, %scan3A_85, %gt3A_108 : i32
        %convert_element_type3A_110 = arith.extui %gt3A_109 : i1 to i32
        %cond3A_111 = arith.constant 0 : i32
        %cond3A_112 = arith.cmpi ne, %convert_element_type3A_110, %cond3A_111 : i32
        scf.if %cond3A_112 {
          %dma_wait3A_121 = tpu.memref_slice %arg4[%while3A_66, %mul3A_107] : memref<832x16384xf32, #tpu.memory_space<hbm>> -> memref<1x4096xf32, #tpu.memory_space<hbm>>
          %dma_wait3A_122 = tpu.memref_squeeze %dma_wait3A_121 : memref<1x4096xf32, #tpu.memory_space<hbm>> -> memref<4096xf32, #tpu.memory_space<hbm>>
          %dma_wait3A_123 = tpu.memref_slice %arg4[%while3A_66, %mul3A_107] : memref<832x16384xf32, #tpu.memory_space<hbm>> -> memref<1x4096xf32, #tpu.memory_space<hbm>>
          %dma_wait3A_124 = tpu.memref_squeeze %dma_wait3A_123 : memref<1x4096xf32, #tpu.memory_space<hbm>> -> memref<4096xf32, #tpu.memory_space<hbm>>
          tpu.wait_dma2 semaphore(%arg11 : memref<!tpu.dma_semaphore, #tpu.memory_space<semaphore_mem>>) src(%arg8 : memref<4096xf32, #tpu.memory_space<vmem>>) dst(%dma_wait3A_124 : memref<4096xf32, #tpu.memory_space<hbm>>)
        } else {
        }
        %parallel_loop3A_113 = arith.constant 0 : i32
        %parallel_loop3A_114 = arith.constant 256 : i32
        %parallel_loop3A_115 = arith.constant 1 : i32
        scf.for %parallel_loop3A_121 = %parallel_loop3A_113 to %parallel_loop3A_114 step %parallel_loop3A_115  : i32 {
          %parallel_loop3A_122 = arith.constant 16 : i32
          %parallel_loop3A_123 = arith.muli %parallel_loop3A_121, %parallel_loop3A_122 : i32
          %parallel_loop3A_124 = arith.addi %mul3A_107, %parallel_loop3A_123 : i32
          %parallel_loop3A_125 = arith.index_cast %parallel_loop3A_124 : i32 to index
          %parallel_loop3A_126 = tpu.vector_load %arg5[%parallel_loop3A_125] {strides = array<i32>} : memref<16384xi32, #tpu.memory_space<vmem>>, vector<16xi32>,
          %parallel_loop3A_127 = arith.constant 1 : i32
          %parallel_loop3A_128 = vector.broadcast %parallel_loop3A_127 : i32 to vector<16xi32>
          %parallel_loop3A_129 = arith.addi %parallel_loop3A_126, %parallel_loop3A_128 : vector<16xi32>
          %parallel_loop3A_130 = tpu.vector_load_idx %arg6[%parallel_loop3A_129] : memref<100001xf32, #tpu.memory_space<vmem>>[vector<16xi32>], vector<16xf32>,
          %parallel_loop3A_131 = arith.constant 16 : i32
          %parallel_loop3A_132 = arith.muli %parallel_loop3A_121, %parallel_loop3A_131 : i32
          %parallel_loop3A_133 = arith.index_cast %parallel_loop3A_132 : i32 to index
          %parallel_loop3A_134 = tpu.vector_load %arg8[%parallel_loop3A_133] {strides = array<i32>} : memref<4096xf32, #tpu.memory_space<vmem>>, vector<16xf32>,
          tpu.vector_store %arg8[%parallel_loop3A_133], %parallel_loop3A_130 {strides = array<i32>} : memref<4096xf32, #tpu.memory_space<vmem>>, vector<16xf32>,
        } {sc.loop_unroll_factor = 8 : i64, sc.parallel_access}
        %dma_start3A_116 = tpu.memref_slice %arg4[%while3A_66, %mul3A_107] : memref<832x16384xf32, #tpu.memory_space<hbm>> -> memref<1x4096xf32, #tpu.memory_space<hbm>>
        %dma_start3A_117 = tpu.memref_squeeze %dma_start3A_116 : memref<1x4096xf32, #tpu.memory_space<hbm>> -> memref<4096xf32, #tpu.memory_space<hbm>>
        %dma_start3A_118 = tpu.memref_slice %arg4[%while3A_66, %mul3A_107] : memref<832x16384xf32, #tpu.memory_space<hbm>> -> memref<1x4096xf32, #tpu.memory_space<hbm>>
        %dma_start3A_119 = tpu.memref_squeeze %dma_start3A_118 : memref<1x4096xf32, #tpu.memory_space<hbm>> -> memref<4096xf32, #tpu.memory_space<hbm>>
        tpu.enqueue_dma source(%arg8 : memref<4096xf32, #tpu.memory_space<vmem>>) target(%dma_start3A_119 : memref<4096xf32, #tpu.memory_space<hbm>>) target_semaphore(%arg11 : memref<!tpu.dma_semaphore, #tpu.memory_space<semaphore_mem>>)
        %scan3A_120 = arith.constant 1 : i32
        scf.yield %scan3A_120 : i32
      }
      %scan3A_83 = arith.constant 2 : i32
      scf.yield %scan3A_82 : i32
    }
    %lt3A = arith.constant 26 : i32
    %lt3A_36 = arith.cmpi slt, %min3A_24, %lt3A : i32
    %convert_element_type3A = arith.extui %lt3A_36 : i1 to i32
    %cond3A = arith.constant 0 : i32
    %cond3A_37 = arith.cmpi ne, %convert_element_type3A, %cond3A : i32
    scf.if %cond3A_37 {
      %add3A_66 = arith.constant 1 : i32
      %add3A_67 = arith.addi %select_n3A, %add3A_66 : i32
      "tpu.region"() ({
        %run_scoped3A = tpu.sem_alloc : memref<!tpu.dma_semaphore, #tpu.memory_space<semaphore_mem>>
        %dma_start3A = arith.constant 0 : i32
        %dma_start3A_68 = tpu.memref_slice %arg2[%add3A_67, %dma_start3A] : memref<26x16384xi32, #tpu.memory_space<hbm>> -> memref<1x16384xi32, #tpu.memory_space<hbm>>
        %dma_start3A_69 = tpu.memref_squeeze %dma_start3A_68 : memref<1x16384xi32, #tpu.memory_space<hbm>> -> memref<16384xi32, #tpu.memory_space<hbm>>
        %dma_start3A_70 = arith.constant 0 : i32
        %dma_start3A_71 = tpu.memref_slice %arg2[%add3A_67, %dma_start3A_70] : memref<26x16384xi32, #tpu.memory_space<hbm>> -> memref<1x16384xi32, #tpu.memory_space<hbm>>
        %dma_start3A_72 = tpu.memref_squeeze %dma_start3A_71 : memref<1x16384xi32, #tpu.memory_space<hbm>> -> memref<16384xi32, #tpu.memory_space<hbm>>
        tpu.enqueue_dma source(%dma_start3A_72 : memref<16384xi32, #tpu.memory_space<hbm>>) target(%arg5 : memref<16384xi32, #tpu.memory_space<vmem>>) target_semaphore(%run_scoped3A : memref<!tpu.dma_semaphore, #tpu.memory_space<semaphore_mem>>)
        %dma_wait3A_73 = arith.constant 0 : i32
        %dma_wait3A_74 = tpu.memref_slice %arg2[%add3A_67, %dma_wait3A_73] : memref<26x16384xi32, #tpu.memory_space<hbm>> -> memref<1x16384xi32, #tpu.memory_space<hbm>>
        %dma_wait3A_75 = tpu.memref_squeeze %dma_wait3A_74 : memref<1x16384xi32, #tpu.memory_space<hbm>> -> memref<16384xi32, #tpu.memory_space<hbm>>
        %dma_wait3A_76 = arith.constant 0 : i32
        %dma_wait3A_77 = tpu.memref_slice %arg2[%add3A_67, %dma_wait3A_76] : memref<26x16384xi32, #tpu.memory_space<hbm>> -> memref<1x16384xi32, #tpu.memory_space<hbm>>
        %dma_wait3A_78 = tpu.memref_squeeze %dma_wait3A_77 : memref<1x16384xi32, #tpu.memory_space<hbm>> -> memref<16384xi32, #tpu.memory_space<hbm>>
        tpu.wait_dma2 semaphore(%run_scoped3A : memref<!tpu.dma_semaphore, #tpu.memory_space<semaphore_mem>>) src(%dma_wait3A_78 : memref<16384xi32, #tpu.memory_space<hbm>>) dst(%arg5 : memref<16384xi32, #tpu.memory_space<vmem>>)
        tpu.yield
      }) : () -> ()
    } else {
    }
    %add3A_38 = arith.addi %mul3A_2, %min3A_24 : i32
    %add3A_39 = arith.constant 26 : i32
    %add3A_40 = arith.addi %mul3A_2, %add3A_39 : i32
    %while3A_41 = arith.subi %add3A_40, %add3A_38 : i32
    %while3A_42 = arith.addi %add3A_38, %while3A_41 : i32
    %while3A_43 = arith.constant 1 : i32
    %while3A_44 = arith.divsi %while3A_41, %while3A_43 : i32
    %while3A_45 = arith.muli %while3A_44, %while3A_43 : i32
    %while3A_46 = arith.addi %add3A_38, %while3A_45 : i32
    %while3A_47 = arith.constant 1 : i32
    %while3A_48 = scf.for %while3A_66 = %add3A_38 to %while3A_46 step %while3A_47 iter_args(%while3A_67 = %while3A_35) -> (i32)  : i32 {
      %dma_start3A = arith.constant 0 : i32
      %dma_start3A_68 = tpu.memref_slice %arg3[%while3A_66, %dma_start3A] : memref<832x100001xf32, #tpu.memory_space<hbm>> -> memref<1x100001xf32, #tpu.memory_space<hbm>>
      %dma_start3A_69 = tpu.memref_squeeze %dma_start3A_68 : memref<1x100001xf32, #tpu.memory_space<hbm>> -> memref<100001xf32, #tpu.memory_space<hbm>>
      %dma_start3A_70 = arith.constant 0 : i32
      %dma_start3A_71 = tpu.memref_slice %arg3[%while3A_66, %dma_start3A_70] : memref<832x100001xf32, #tpu.memory_space<hbm>> -> memref<1x100001xf32, #tpu.memory_space<hbm>>
      %dma_start3A_72 = tpu.memref_squeeze %dma_start3A_71 : memref<1x100001xf32, #tpu.memory_space<hbm>> -> memref<100001xf32, #tpu.memory_space<hbm>>
      tpu.enqueue_dma source(%dma_start3A_72 : memref<100001xf32, #tpu.memory_space<hbm>>) target(%arg6 : memref<100001xf32, #tpu.memory_space<vmem>>) target_semaphore(%arg9 : memref<!tpu.dma_semaphore, #tpu.memory_space<semaphore_mem>>)
      %dma_wait3A_73 = arith.constant 0 : i32
      %dma_wait3A_74 = tpu.memref_slice %arg3[%while3A_66, %dma_wait3A_73] : memref<832x100001xf32, #tpu.memory_space<hbm>> -> memref<1x100001xf32, #tpu.memory_space<hbm>>
      %dma_wait3A_75 = tpu.memref_squeeze %dma_wait3A_74 : memref<1x100001xf32, #tpu.memory_space<hbm>> -> memref<100001xf32, #tpu.memory_space<hbm>>
      %dma_wait3A_76 = arith.constant 0 : i32
      %dma_wait3A_77 = tpu.memref_slice %arg3[%while3A_66, %dma_wait3A_76] : memref<832x100001xf32, #tpu.memory_space<hbm>> -> memref<1x100001xf32, #tpu.memory_space<hbm>>
      %dma_wait3A_78 = tpu.memref_squeeze %dma_wait3A_77 : memref<1x100001xf32, #tpu.memory_space<hbm>> -> memref<100001xf32, #tpu.memory_space<hbm>>
      tpu.wait_dma2 semaphore(%arg9 : memref<!tpu.dma_semaphore, #tpu.memory_space<semaphore_mem>>) src(%dma_wait3A_78 : memref<100001xf32, #tpu.memory_space<hbm>>) dst(%arg6 : memref<100001xf32, #tpu.memory_space<vmem>>)
      %scan3A = arith.constant 0 : i32
      %scan3A_79 = arith.constant 2 : i32
      %scan3A_80 = arith.addi %scan3A, %scan3A_79 : i32
      %scan3A_81 = arith.constant 1 : i32
      %scan3A_82 = scf.for %scan3A_84 = %scan3A to %scan3A_80 step %scan3A_81 iter_args(%scan3A_85 = %while3A_67) -> (i32)  : i32 {
        %mul3A_86 = arith.constant 2 : i32
        %mul3A_87 = arith.muli %mul3A_86, %scan3A_84 : i32
        %add3A_88 = arith.constant 0 : i32
        %add3A_89 = arith.addi %mul3A_87, %add3A_88 : i32
        %mul3A_90 = arith.constant 4096 : i32
        %mul3A_91 = arith.muli %add3A_89, %mul3A_90 : i32
        %gt3A = arith.constant 0 : i32
        %gt3A_92 = arith.cmpi sgt, %scan3A_85, %gt3A : i32
        %convert_element_type3A_93 = arith.extui %gt3A_92 : i1 to i32
        %cond3A_94 = arith.constant 0 : i32
        %cond3A_95 = arith.cmpi ne, %convert_element_type3A_93, %cond3A_94 : i32
        scf.if %cond3A_95 {
          %dma_wait3A_121 = tpu.memref_slice %arg4[%while3A_66, %mul3A_91] : memref<832x16384xf32, #tpu.memory_space<hbm>> -> memref<1x4096xf32, #tpu.memory_space<hbm>>
          %dma_wait3A_122 = tpu.memref_squeeze %dma_wait3A_121 : memref<1x4096xf32, #tpu.memory_space<hbm>> -> memref<4096xf32, #tpu.memory_space<hbm>>
          %dma_wait3A_123 = tpu.memref_slice %arg4[%while3A_66, %mul3A_91] : memref<832x16384xf32, #tpu.memory_space<hbm>> -> memref<1x4096xf32, #tpu.memory_space<hbm>>
          %dma_wait3A_124 = tpu.memref_squeeze %dma_wait3A_123 : memref<1x4096xf32, #tpu.memory_space<hbm>> -> memref<4096xf32, #tpu.memory_space<hbm>>
          tpu.wait_dma2 semaphore(%arg10 : memref<!tpu.dma_semaphore, #tpu.memory_space<semaphore_mem>>) src(%arg7 : memref<4096xf32, #tpu.memory_space<vmem>>) dst(%dma_wait3A_124 : memref<4096xf32, #tpu.memory_space<hbm>>)
        } else {
        }
        %parallel_loop3A = arith.constant 0 : i32
        %parallel_loop3A_96 = arith.constant 256 : i32
        %parallel_loop3A_97 = arith.constant 1 : i32
        scf.for %parallel_loop3A_121 = %parallel_loop3A to %parallel_loop3A_96 step %parallel_loop3A_97  : i32 {
          %parallel_loop3A_122 = arith.constant 16 : i32
          %parallel_loop3A_123 = arith.muli %parallel_loop3A_121, %parallel_loop3A_122 : i32
          %parallel_loop3A_124 = arith.addi %mul3A_91, %parallel_loop3A_123 : i32
          %parallel_loop3A_125 = arith.index_cast %parallel_loop3A_124 : i32 to index
          %parallel_loop3A_126 = tpu.vector_load %arg5[%parallel_loop3A_125] {strides = array<i32>} : memref<16384xi32, #tpu.memory_space<vmem>>, vector<16xi32>,
          %parallel_loop3A_127 = arith.constant 1 : i32
          %parallel_loop3A_128 = vector.broadcast %parallel_loop3A_127 : i32 to vector<16xi32>
          %parallel_loop3A_129 = arith.addi %parallel_loop3A_126, %parallel_loop3A_128 : vector<16xi32>
          %parallel_loop3A_130 = tpu.vector_load_idx %arg6[%parallel_loop3A_129] : memref<100001xf32, #tpu.memory_space<vmem>>[vector<16xi32>], vector<16xf32>,
          %parallel_loop3A_131 = arith.constant 16 : i32
          %parallel_loop3A_132 = arith.muli %parallel_loop3A_121, %parallel_loop3A_131 : i32
          %parallel_loop3A_133 = arith.index_cast %parallel_loop3A_132 : i32 to index
          %parallel_loop3A_134 = tpu.vector_load %arg7[%parallel_loop3A_133] {strides = array<i32>} : memref<4096xf32, #tpu.memory_space<vmem>>, vector<16xf32>,
          tpu.vector_store %arg7[%parallel_loop3A_133], %parallel_loop3A_130 {strides = array<i32>} : memref<4096xf32, #tpu.memory_space<vmem>>, vector<16xf32>,
        } {sc.loop_unroll_factor = 8 : i64, sc.parallel_access}
        %dma_start3A_98 = tpu.memref_slice %arg4[%while3A_66, %mul3A_91] : memref<832x16384xf32, #tpu.memory_space<hbm>> -> memref<1x4096xf32, #tpu.memory_space<hbm>>
        %dma_start3A_99 = tpu.memref_squeeze %dma_start3A_98 : memref<1x4096xf32, #tpu.memory_space<hbm>> -> memref<4096xf32, #tpu.memory_space<hbm>>
        %dma_start3A_100 = tpu.memref_slice %arg4[%while3A_66, %mul3A_91] : memref<832x16384xf32, #tpu.memory_space<hbm>> -> memref<1x4096xf32, #tpu.memory_space<hbm>>
        %dma_start3A_101 = tpu.memref_squeeze %dma_start3A_100 : memref<1x4096xf32, #tpu.memory_space<hbm>> -> memref<4096xf32, #tpu.memory_space<hbm>>
        tpu.enqueue_dma source(%arg7 : memref<4096xf32, #tpu.memory_space<vmem>>) target(%dma_start3A_101 : memref<4096xf32, #tpu.memory_space<hbm>>) target_semaphore(%arg10 : memref<!tpu.dma_semaphore, #tpu.memory_space<semaphore_mem>>)
        %mul3A_102 = arith.constant 2 : i32
        %mul3A_103 = arith.muli %mul3A_102, %scan3A_84 : i32
        %add3A_104 = arith.constant 1 : i32
        %add3A_105 = arith.addi %mul3A_103, %add3A_104 : i32
        %mul3A_106 = arith.constant 4096 : i32
        %mul3A_107 = arith.muli %add3A_105, %mul3A_106 : i32
        %gt3A_108 = arith.constant 0 : i32
        %gt3A_109 = arith.cmpi sgt, %scan3A_85, %gt3A_108 : i32
        %convert_element_type3A_110 = arith.extui %gt3A_109 : i1 to i32
        %cond3A_111 = arith.constant 0 : i32
        %cond3A_112 = arith.cmpi ne, %convert_element_type3A_110, %cond3A_111 : i32
        scf.if %cond3A_112 {
          %dma_wait3A_121 = tpu.memref_slice %arg4[%while3A_66, %mul3A_107] : memref<832x16384xf32, #tpu.memory_space<hbm>> -> memref<1x4096xf32, #tpu.memory_space<hbm>>
          %dma_wait3A_122 = tpu.memref_squeeze %dma_wait3A_121 : memref<1x4096xf32, #tpu.memory_space<hbm>> -> memref<4096xf32, #tpu.memory_space<hbm>>
          %dma_wait3A_123 = tpu.memref_slice %arg4[%while3A_66, %mul3A_107] : memref<832x16384xf32, #tpu.memory_space<hbm>> -> memref<1x4096xf32, #tpu.memory_space<hbm>>
          %dma_wait3A_124 = tpu.memref_squeeze %dma_wait3A_123 : memref<1x4096xf32, #tpu.memory_space<hbm>> -> memref<4096xf32, #tpu.memory_space<hbm>>
          tpu.wait_dma2 semaphore(%arg11 : memref<!tpu.dma_semaphore, #tpu.memory_space<semaphore_mem>>) src(%arg8 : memref<4096xf32, #tpu.memory_space<vmem>>) dst(%dma_wait3A_124 : memref<4096xf32, #tpu.memory_space<hbm>>)
        } else {
        }
        %parallel_loop3A_113 = arith.constant 0 : i32
        %parallel_loop3A_114 = arith.constant 256 : i32
        %parallel_loop3A_115 = arith.constant 1 : i32
        scf.for %parallel_loop3A_121 = %parallel_loop3A_113 to %parallel_loop3A_114 step %parallel_loop3A_115  : i32 {
          %parallel_loop3A_122 = arith.constant 16 : i32
          %parallel_loop3A_123 = arith.muli %parallel_loop3A_121, %parallel_loop3A_122 : i32
          %parallel_loop3A_124 = arith.addi %mul3A_107, %parallel_loop3A_123 : i32
          %parallel_loop3A_125 = arith.index_cast %parallel_loop3A_124 : i32 to index
          %parallel_loop3A_126 = tpu.vector_load %arg5[%parallel_loop3A_125] {strides = array<i32>} : memref<16384xi32, #tpu.memory_space<vmem>>, vector<16xi32>,
          %parallel_loop3A_127 = arith.constant 1 : i32
          %parallel_loop3A_128 = vector.broadcast %parallel_loop3A_127 : i32 to vector<16xi32>
          %parallel_loop3A_129 = arith.addi %parallel_loop3A_126, %parallel_loop3A_128 : vector<16xi32>
          %parallel_loop3A_130 = tpu.vector_load_idx %arg6[%parallel_loop3A_129] : memref<100001xf32, #tpu.memory_space<vmem>>[vector<16xi32>], vector<16xf32>,
          %parallel_loop3A_131 = arith.constant 16 : i32
          %parallel_loop3A_132 = arith.muli %parallel_loop3A_121, %parallel_loop3A_131 : i32
          %parallel_loop3A_133 = arith.index_cast %parallel_loop3A_132 : i32 to index
          %parallel_loop3A_134 = tpu.vector_load %arg8[%parallel_loop3A_133] {strides = array<i32>} : memref<4096xf32, #tpu.memory_space<vmem>>, vector<16xf32>,
          tpu.vector_store %arg8[%parallel_loop3A_133], %parallel_loop3A_130 {strides = array<i32>} : memref<4096xf32, #tpu.memory_space<vmem>>, vector<16xf32>,
        } {sc.loop_unroll_factor = 8 : i64, sc.parallel_access}
        %dma_start3A_116 = tpu.memref_slice %arg4[%while3A_66, %mul3A_107] : memref<832x16384xf32, #tpu.memory_space<hbm>> -> memref<1x4096xf32, #tpu.memory_space<hbm>>
        %dma_start3A_117 = tpu.memref_squeeze %dma_start3A_116 : memref<1x4096xf32, #tpu.memory_space<hbm>> -> memref<4096xf32, #tpu.memory_space<hbm>>
        %dma_start3A_118 = tpu.memref_slice %arg4[%while3A_66, %mul3A_107] : memref<832x16384xf32, #tpu.memory_space<hbm>> -> memref<1x4096xf32, #tpu.memory_space<hbm>>
        %dma_start3A_119 = tpu.memref_squeeze %dma_start3A_118 : memref<1x4096xf32, #tpu.memory_space<hbm>> -> memref<4096xf32, #tpu.memory_space<hbm>>
        tpu.enqueue_dma source(%arg8 : memref<4096xf32, #tpu.memory_space<vmem>>) target(%dma_start3A_119 : memref<4096xf32, #tpu.memory_space<hbm>>) target_semaphore(%arg11 : memref<!tpu.dma_semaphore, #tpu.memory_space<semaphore_mem>>)
        %scan3A_120 = arith.constant 1 : i32
        scf.yield %scan3A_120 : i32
      }
      %scan3A_83 = arith.constant 2 : i32
      scf.yield %scan3A_82 : i32
    }
    %while3A_49 = arith.constant 1 : i32
    %while3A_50 = scf.for %while3A_66 = %while3A_46 to %while3A_42 step %while3A_49 iter_args(%while3A_67 = %while3A_48) -> (i32)  : i32 {
      %dma_start3A = arith.constant 0 : i32
      %dma_start3A_68 = tpu.memref_slice %arg3[%while3A_66, %dma_start3A] : memref<832x100001xf32, #tpu.memory_space<hbm>> -> memref<1x100001xf32, #tpu.memory_space<hbm>>
      %dma_start3A_69 = tpu.memref_squeeze %dma_start3A_68 : memref<1x100001xf32, #tpu.memory_space<hbm>> -> memref<100001xf32, #tpu.memory_space<hbm>>
      %dma_start3A_70 = arith.constant 0 : i32
      %dma_start3A_71 = tpu.memref_slice %arg3[%while3A_66, %dma_start3A_70] : memref<832x100001xf32, #tpu.memory_space<hbm>> -> memref<1x100001xf32, #tpu.memory_space<hbm>>
      %dma_start3A_72 = tpu.memref_squeeze %dma_start3A_71 : memref<1x100001xf32, #tpu.memory_space<hbm>> -> memref<100001xf32, #tpu.memory_space<hbm>>
      tpu.enqueue_dma source(%dma_start3A_72 : memref<100001xf32, #tpu.memory_space<hbm>>) target(%arg6 : memref<100001xf32, #tpu.memory_space<vmem>>) target_semaphore(%arg9 : memref<!tpu.dma_semaphore, #tpu.memory_space<semaphore_mem>>)
      %dma_wait3A_73 = arith.constant 0 : i32
      %dma_wait3A_74 = tpu.memref_slice %arg3[%while3A_66, %dma_wait3A_73] : memref<832x100001xf32, #tpu.memory_space<hbm>> -> memref<1x100001xf32, #tpu.memory_space<hbm>>
      %dma_wait3A_75 = tpu.memref_squeeze %dma_wait3A_74 : memref<1x100001xf32, #tpu.memory_space<hbm>> -> memref<100001xf32, #tpu.memory_space<hbm>>
      %dma_wait3A_76 = arith.constant 0 : i32
      %dma_wait3A_77 = tpu.memref_slice %arg3[%while3A_66, %dma_wait3A_76] : memref<832x100001xf32, #tpu.memory_space<hbm>> -> memref<1x100001xf32, #tpu.memory_space<hbm>>
      %dma_wait3A_78 = tpu.memref_squeeze %dma_wait3A_77 : memref<1x100001xf32, #tpu.memory_space<hbm>> -> memref<100001xf32, #tpu.memory_space<hbm>>
      tpu.wait_dma2 semaphore(%arg9 : memref<!tpu.dma_semaphore, #tpu.memory_space<semaphore_mem>>) src(%dma_wait3A_78 : memref<100001xf32, #tpu.memory_space<hbm>>) dst(%arg6 : memref<100001xf32, #tpu.memory_space<vmem>>)
      %scan3A = arith.constant 0 : i32
      %scan3A_79 = arith.constant 2 : i32
      %scan3A_80 = arith.addi %scan3A, %scan3A_79 : i32
      %scan3A_81 = arith.constant 1 : i32
      %scan3A_82 = scf.for %scan3A_84 = %scan3A to %scan3A_80 step %scan3A_81 iter_args(%scan3A_85 = %while3A_67) -> (i32)  : i32 {
        %mul3A_86 = arith.constant 2 : i32
        %mul3A_87 = arith.muli %mul3A_86, %scan3A_84 : i32
        %add3A_88 = arith.constant 0 : i32
        %add3A_89 = arith.addi %mul3A_87, %add3A_88 : i32
        %mul3A_90 = arith.constant 4096 : i32
        %mul3A_91 = arith.muli %add3A_89, %mul3A_90 : i32
        %gt3A = arith.constant 0 : i32
        %gt3A_92 = arith.cmpi sgt, %scan3A_85, %gt3A : i32
        %convert_element_type3A_93 = arith.extui %gt3A_92 : i1 to i32
        %cond3A_94 = arith.constant 0 : i32
        %cond3A_95 = arith.cmpi ne, %convert_element_type3A_93, %cond3A_94 : i32
        scf.if %cond3A_95 {
          %dma_wait3A_121 = tpu.memref_slice %arg4[%while3A_66, %mul3A_91] : memref<832x16384xf32, #tpu.memory_space<hbm>> -> memref<1x4096xf32, #tpu.memory_space<hbm>>
          %dma_wait3A_122 = tpu.memref_squeeze %dma_wait3A_121 : memref<1x4096xf32, #tpu.memory_space<hbm>> -> memref<4096xf32, #tpu.memory_space<hbm>>
          %dma_wait3A_123 = tpu.memref_slice %arg4[%while3A_66, %mul3A_91] : memref<832x16384xf32, #tpu.memory_space<hbm>> -> memref<1x4096xf32, #tpu.memory_space<hbm>>
          %dma_wait3A_124 = tpu.memref_squeeze %dma_wait3A_123 : memref<1x4096xf32, #tpu.memory_space<hbm>> -> memref<4096xf32, #tpu.memory_space<hbm>>
          tpu.wait_dma2 semaphore(%arg10 : memref<!tpu.dma_semaphore, #tpu.memory_space<semaphore_mem>>) src(%arg7 : memref<4096xf32, #tpu.memory_space<vmem>>) dst(%dma_wait3A_124 : memref<4096xf32, #tpu.memory_space<hbm>>)
        } else {
        }
        %parallel_loop3A = arith.constant 0 : i32
        %parallel_loop3A_96 = arith.constant 256 : i32
        %parallel_loop3A_97 = arith.constant 1 : i32
        scf.for %parallel_loop3A_121 = %parallel_loop3A to %parallel_loop3A_96 step %parallel_loop3A_97  : i32 {
          %parallel_loop3A_122 = arith.constant 16 : i32
          %parallel_loop3A_123 = arith.muli %parallel_loop3A_121, %parallel_loop3A_122 : i32
          %parallel_loop3A_124 = arith.addi %mul3A_91, %parallel_loop3A_123 : i32
          %parallel_loop3A_125 = arith.index_cast %parallel_loop3A_124 : i32 to index
          %parallel_loop3A_126 = tpu.vector_load %arg5[%parallel_loop3A_125] {strides = array<i32>} : memref<16384xi32, #tpu.memory_space<vmem>>, vector<16xi32>,
          %parallel_loop3A_127 = arith.constant 1 : i32
          %parallel_loop3A_128 = vector.broadcast %parallel_loop3A_127 : i32 to vector<16xi32>
          %parallel_loop3A_129 = arith.addi %parallel_loop3A_126, %parallel_loop3A_128 : vector<16xi32>
          %parallel_loop3A_130 = tpu.vector_load_idx %arg6[%parallel_loop3A_129] : memref<100001xf32, #tpu.memory_space<vmem>>[vector<16xi32>], vector<16xf32>,
          %parallel_loop3A_131 = arith.constant 16 : i32
          %parallel_loop3A_132 = arith.muli %parallel_loop3A_121, %parallel_loop3A_131 : i32
          %parallel_loop3A_133 = arith.index_cast %parallel_loop3A_132 : i32 to index
          %parallel_loop3A_134 = tpu.vector_load %arg7[%parallel_loop3A_133] {strides = array<i32>} : memref<4096xf32, #tpu.memory_space<vmem>>, vector<16xf32>,
          tpu.vector_store %arg7[%parallel_loop3A_133], %parallel_loop3A_130 {strides = array<i32>} : memref<4096xf32, #tpu.memory_space<vmem>>, vector<16xf32>,
        } {sc.loop_unroll_factor = 8 : i64, sc.parallel_access}
        %dma_start3A_98 = tpu.memref_slice %arg4[%while3A_66, %mul3A_91] : memref<832x16384xf32, #tpu.memory_space<hbm>> -> memref<1x4096xf32, #tpu.memory_space<hbm>>
        %dma_start3A_99 = tpu.memref_squeeze %dma_start3A_98 : memref<1x4096xf32, #tpu.memory_space<hbm>> -> memref<4096xf32, #tpu.memory_space<hbm>>
        %dma_start3A_100 = tpu.memref_slice %arg4[%while3A_66, %mul3A_91] : memref<832x16384xf32, #tpu.memory_space<hbm>> -> memref<1x4096xf32, #tpu.memory_space<hbm>>
        %dma_start3A_101 = tpu.memref_squeeze %dma_start3A_100 : memref<1x4096xf32, #tpu.memory_space<hbm>> -> memref<4096xf32, #tpu.memory_space<hbm>>
        tpu.enqueue_dma source(%arg7 : memref<4096xf32, #tpu.memory_space<vmem>>) target(%dma_start3A_101 : memref<4096xf32, #tpu.memory_space<hbm>>) target_semaphore(%arg10 : memref<!tpu.dma_semaphore, #tpu.memory_space<semaphore_mem>>)
        %mul3A_102 = arith.constant 2 : i32
        %mul3A_103 = arith.muli %mul3A_102, %scan3A_84 : i32
        %add3A_104 = arith.constant 1 : i32
        %add3A_105 = arith.addi %mul3A_103, %add3A_104 : i32
        %mul3A_106 = arith.constant 4096 : i32
        %mul3A_107 = arith.muli %add3A_105, %mul3A_106 : i32
        %gt3A_108 = arith.constant 0 : i32
        %gt3A_109 = arith.cmpi sgt, %scan3A_85, %gt3A_108 : i32
        %convert_element_type3A_110 = arith.extui %gt3A_109 : i1 to i32
        %cond3A_111 = arith.constant 0 : i32
        %cond3A_112 = arith.cmpi ne, %convert_element_type3A_110, %cond3A_111 : i32
        scf.if %cond3A_112 {
          %dma_wait3A_121 = tpu.memref_slice %arg4[%while3A_66, %mul3A_107] : memref<832x16384xf32, #tpu.memory_space<hbm>> -> memref<1x4096xf32, #tpu.memory_space<hbm>>
          %dma_wait3A_122 = tpu.memref_squeeze %dma_wait3A_121 : memref<1x4096xf32, #tpu.memory_space<hbm>> -> memref<4096xf32, #tpu.memory_space<hbm>>
          %dma_wait3A_123 = tpu.memref_slice %arg4[%while3A_66, %mul3A_107] : memref<832x16384xf32, #tpu.memory_space<hbm>> -> memref<1x4096xf32, #tpu.memory_space<hbm>>
          %dma_wait3A_124 = tpu.memref_squeeze %dma_wait3A_123 : memref<1x4096xf32, #tpu.memory_space<hbm>> -> memref<4096xf32, #tpu.memory_space<hbm>>
          tpu.wait_dma2 semaphore(%arg11 : memref<!tpu.dma_semaphore, #tpu.memory_space<semaphore_mem>>) src(%arg8 : memref<4096xf32, #tpu.memory_space<vmem>>) dst(%dma_wait3A_124 : memref<4096xf32, #tpu.memory_space<hbm>>)
        } else {
        }
        %parallel_loop3A_113 = arith.constant 0 : i32
        %parallel_loop3A_114 = arith.constant 256 : i32
        %parallel_loop3A_115 = arith.constant 1 : i32
        scf.for %parallel_loop3A_121 = %parallel_loop3A_113 to %parallel_loop3A_114 step %parallel_loop3A_115  : i32 {
          %parallel_loop3A_122 = arith.constant 16 : i32
          %parallel_loop3A_123 = arith.muli %parallel_loop3A_121, %parallel_loop3A_122 : i32
          %parallel_loop3A_124 = arith.addi %mul3A_107, %parallel_loop3A_123 : i32
          %parallel_loop3A_125 = arith.index_cast %parallel_loop3A_124 : i32 to index
          %parallel_loop3A_126 = tpu.vector_load %arg5[%parallel_loop3A_125] {strides = array<i32>} : memref<16384xi32, #tpu.memory_space<vmem>>, vector<16xi32>,
          %parallel_loop3A_127 = arith.constant 1 : i32
          %parallel_loop3A_128 = vector.broadcast %parallel_loop3A_127 : i32 to vector<16xi32>
          %parallel_loop3A_129 = arith.addi %parallel_loop3A_126, %parallel_loop3A_128 : vector<16xi32>
          %parallel_loop3A_130 = tpu.vector_load_idx %arg6[%parallel_loop3A_129] : memref<100001xf32, #tpu.memory_space<vmem>>[vector<16xi32>], vector<16xf32>,
          %parallel_loop3A_131 = arith.constant 16 : i32
          %parallel_loop3A_132 = arith.muli %parallel_loop3A_121, %parallel_loop3A_131 : i32
          %parallel_loop3A_133 = arith.index_cast %parallel_loop3A_132 : i32 to index
          %parallel_loop3A_134 = tpu.vector_load %arg8[%parallel_loop3A_133] {strides = array<i32>} : memref<4096xf32, #tpu.memory_space<vmem>>, vector<16xf32>,
          tpu.vector_store %arg8[%parallel_loop3A_133], %parallel_loop3A_130 {strides = array<i32>} : memref<4096xf32, #tpu.memory_space<vmem>>, vector<16xf32>,
        } {sc.loop_unroll_factor = 8 : i64, sc.parallel_access}
        %dma_start3A_116 = tpu.memref_slice %arg4[%while3A_66, %mul3A_107] : memref<832x16384xf32, #tpu.memory_space<hbm>> -> memref<1x4096xf32, #tpu.memory_space<hbm>>
        %dma_start3A_117 = tpu.memref_squeeze %dma_start3A_116 : memref<1x4096xf32, #tpu.memory_space<hbm>> -> memref<4096xf32, #tpu.memory_space<hbm>>
        %dma_start3A_118 = tpu.memref_slice %arg4[%while3A_66, %mul3A_107] : memref<832x16384xf32, #tpu.memory_space<hbm>> -> memref<1x4096xf32, #tpu.memory_space<hbm>>
        %dma_start3A_119 = tpu.memref_squeeze %dma_start3A_118 : memref<1x4096xf32, #tpu.memory_space<hbm>> -> memref<4096xf32, #tpu.memory_space<hbm>>
        tpu.enqueue_dma source(%arg8 : memref<4096xf32, #tpu.memory_space<vmem>>) target(%dma_start3A_119 : memref<4096xf32, #tpu.memory_space<hbm>>) target_semaphore(%arg11 : memref<!tpu.dma_semaphore, #tpu.memory_space<semaphore_mem>>)
        %scan3A_120 = arith.constant 1 : i32
        scf.yield %scan3A_120 : i32
      }
      %scan3A_83 = arith.constant 2 : i32
      scf.yield %scan3A_82 : i32
    }
    %add3A_51 = arith.constant 26 : i32
    %add3A_52 = arith.addi %mul3A_2, %add3A_51 : i32
    %sub3A_53 = arith.constant 1 : i32
    %sub3A_54 = arith.subi %add3A_52, %sub3A_53 : i32
    %dma_wait3A = arith.constant 8192 : i32
    %dma_wait3A_55 = tpu.memref_slice %arg4[%sub3A_54, %dma_wait3A] : memref<832x16384xf32, #tpu.memory_space<hbm>> -> memref<1x4096xf32, #tpu.memory_space<hbm>>
    %dma_wait3A_56 = tpu.memref_squeeze %dma_wait3A_55 : memref<1x4096xf32, #tpu.memory_space<hbm>> -> memref<4096xf32, #tpu.memory_space<hbm>>
    %dma_wait3A_57 = arith.constant 8192 : i32
    %dma_wait3A_58 = tpu.memref_slice %arg4[%sub3A_54, %dma_wait3A_57] : memref<832x16384xf32, #tpu.memory_space<hbm>> -> memref<1x4096xf32, #tpu.memory_space<hbm>>
    %dma_wait3A_59 = tpu.memref_squeeze %dma_wait3A_58 : memref<1x4096xf32, #tpu.memory_space<hbm>> -> memref<4096xf32, #tpu.memory_space<hbm>>
    tpu.wait_dma2 semaphore(%arg10 : memref<!tpu.dma_semaphore, #tpu.memory_space<semaphore_mem>>) src(%arg7 : memref<4096xf32, #tpu.memory_space<vmem>>) dst(%dma_wait3A_59 : memref<4096xf32, #tpu.memory_space<hbm>>)
    %dma_wait3A_60 = arith.constant 12288 : i32
    %dma_wait3A_61 = tpu.memref_slice %arg4[%sub3A_54, %dma_wait3A_60] : memref<832x16384xf32, #tpu.memory_space<hbm>> -> memref<1x4096xf32, #tpu.memory_space<hbm>>
    %dma_wait3A_62 = tpu.memref_squeeze %dma_wait3A_61 : memref<1x4096xf32, #tpu.memory_space<hbm>> -> memref<4096xf32, #tpu.memory_space<hbm>>
    %dma_wait3A_63 = arith.constant 12288 : i32
    %dma_wait3A_64 = tpu.memref_slice %arg4[%sub3A_54, %dma_wait3A_63] : memref<832x16384xf32, #tpu.memory_space<hbm>> -> memref<1x4096xf32, #tpu.memory_space<hbm>>
    %dma_wait3A_65 = tpu.memref_squeeze %dma_wait3A_64 : memref<1x4096xf32, #tpu.memory_space<hbm>> -> memref<4096xf32, #tpu.memory_space<hbm>>
    tpu.wait_dma2 semaphore(%arg11 : memref<!tpu.dma_semaphore, #tpu.memory_space<semaphore_mem>>) src(%arg8 : memref<4096xf32, #tpu.memory_space<vmem>>) dst(%dma_wait3A_65 : memref<4096xf32, #tpu.memory_space<hbm>>)
    return
  }
}

</mosaic_0001>

<sc_bundles>
// kernel: kernel.3.cloned.1.call-start
scs
__scs_entry_jumppad:
0x0: {  	(pc) =	sbr.rel $0x88, $3  }
0x1: {  	(tag) =	ssettag $0x0;
	lr =	simm.s32 $0x1  }
0x2: {  	[smem:$0x3F9F] =	sst lr;
	_ =	strace $0xD0000000  }
0x3: {  	_ = 	snop  }
0x4: {  	_ = 	snop  }
0x5: {  	_ = 	snop  }
0x6: {  	_ = 	snop  }
0x7: {  	_ = 	snop  }
__scs_overlays_trampoline_lowered:
0x8: {  	[smem:$0x3FAE] =	sst s0  }
0x9: {  	[smem:$0x3FAF] =	sst s1  }
0xa: {  	[smem:$0x3FB0] =	sst s2  }
0xb: {  	[smem:$0x3FB1] =	sst s3  }
0xc: {  	[smem:$0x3FB2] =	sst s4  }
0xd: {  	[smem:$0x3FB3] =	sst s5  }
0xe: {  	[smem:$0x3FB4] =	sst s6  }
0xf: {  	[smem:$0x3FB5] =	sst s7  }
0x10: {  	[smem:$0x3FB6] =	sst s8  }
0x11: {  	[smem:$0x3FB7] =	sst s9;
	s0 =	simm.s32 @!p0 $0x0  }
0x12: {  	s1 =	sld [smem:$0x3F9D];
	s0 =	simm.s32 @p0 $0x1  }
0x13: {  	[smem:$0x3FB8] =	sst s0;
	s0 =	simm.s32 @!p1 $0x0  }
0x14: {  	s2 =	sld [smem:$0x3F9C];
	s0 =	simm.s32 @p1 $0x1  }
0x15: {  	[smem:$0x3FB9] =	sst s0;
	s0 =	simm.s32 @!p2 $0x0  }
0x16: {  	s3 =	sld [smem:$0x3FDB];
	s0 =	simm.s32 @p2 $0x1  }
0x17: {  	s4 =	simm.s32 $0x1BF5;
	[smem:$0x3FBB] =	sst s0  }
0x18: {  	s0 =	sld [smem:$0x3F9E];
	_ =	swait.ge [sflag:s4], $0x0  }
0x19: {  	s7 =	sld [smem:$0x3F9F]  }
0x1a: {  	s8 =	sadd.s32 $0xFFFFE003, lr  }
0x1b: {  	s9 =	sadd.s32 $0xFFFFFEF7, lr;
	s5 =	simm.s32 $0xFFFFFFFF;
	p2 =	slt.u32 s8, $0xFFFFF086  }
0x1c: {  	p1 =	slt.u32 s9, $0xF7A;
	s5 =	simm.s32 @!p2 $0x0  }
0x1d: {  	s5 =	simm.s32 @p1 $0x1;
	p0 =	seq.s32 s7, s2  }
0x1e: {  	s7 =	smul.u32 @!p0 $0xF7A, s2;
	p2 =	seq.s32 @!p0 s5, $0x0  }
0x1f: {  	s9 =	smul.u32 $0xF7A, s1;
	s8 =	simm.s32 @!p0 $0x1BF5;
	p2 =	por !p2, p0  }
0x20: {  	[sflag:s8] =	ssyncset.s32 @!p0 $0xFFFFF086;
	s6 =	sadd.s32 @!p0 s3, s7;
	s7 =	simm.s32 @!p0 $0x108  }
0x21: {  	s3 =	sadd.s32 s3, s9;
	s6 =	sadd.s32 @!p0 $0x88, s6;
	s7 =	simm.s32 @p2 $0x1082  }
0x22: {  	[simem:s7], [sflag:s8] =	dma.local @!p0 [hbm:s6], $0xF7A  }
0x23: {  	s9 =	sor.u32 $0xD0000000, s2;
	s6 =	simm.s32 $0x108;
	_ =	swait.ge @!p0 [sflag:s8], $0x0  }
0x24: {  	s3 =	sadd.s32 $0x88, s3;
	s6 =	simm.s32 @!p1 $0x1082;
	[sflag:s4] =	ssyncset.s32 $0xFFFFF086  }
0x25: {  	[simem:s6], [sflag:s4] =	dma.local [hbm:s3], $0xF7A  }
0x26: {  	[smem:$0x3F9F] =	sst s1;
	(tag) =	ssettag s2;
	_ =	strace s9  }
0x27: {  	s1 =	sld [smem:$0x3FAF]  }
0x28: {  	s2 =	sld [smem:$0x3FB0]  }
0x29: {  	s4 =	sld [smem:$0x3FB2]  }
0x2a: {  	p0 =	seq.s32 s5, $0x0;
	s5 =	sld [smem:$0x3FB3]  }
0x2b: {  	s6 =	sld [smem:$0x3FB4]  }
0x2c: {  	s7 =	sld [smem:$0x3FB5]  }
0x2d: {  	s3 =	simm.s32 $0x108;
	s8 =	sld [smem:$0x3FB6]  }
0x2e: {  	s3 =	simm.s32 @!p0 $0x1082;
	s9 =	sld [smem:$0x3FB7]  }
0x2f: {  	lr =	sadd.s32 s0, s3;
	s0 =	sld [smem:$0x3FAE]  }
0x30: {  	s3 =	sld [smem:$0x3FB1]  }
0x31: {  	[smem:$0x3FBA] =	sst s10  }
0x32: {  	s10 =	sld [smem:$0x3FB8];
	_ =	sdelay $0x3  }
0x33: {  	p0 =	seq.s32 s10, $0x1;
	s10 =	sld [smem:$0x3FBA];
	_ =	sdelay $0x3  }
0x34: {  	[smem:$0x3FBA] =	sst s10  }
0x35: {  	s10 =	sld [smem:$0x3FB9];
	_ =	sdelay $0x3  }
0x36: {  	p1 =	seq.s32 s10, $0x1;
	s10 =	sld [smem:$0x3FBA];
	_ =	sdelay $0x3  }
0x37: {  	[smem:$0x3FBA] =	sst s10  }
0x38: {  	s10 =	sld [smem:$0x3FBB]  }
0x39: {  	_ = 	snop;
	(pc) =	sbr.ind lr, $3  }
0x3a: {  	_ = 	snop  }
0x3b: {  	_ = 	snop  }
0x3c: {  	p2 =	seq.s32 s10, $0x1;
	s10 =	sld [smem:$0x3FBA]  }
0x3d: {  	_ =	shalt  }
0x3e: {  	_ =	shalt  }
0x3f: {  	_ =	shalt  }
0x40: {  	_ =	shalt  }
0x41: {  	_ =	shalt  }
0x42: {  	_ =	shalt  }
0x43: {  	_ =	shalt  }
0x44: {  	_ =	shalt  }
0x45: {  	_ =	shalt  }
0x46: {  	_ =	shalt  }
0x47: {  	_ =	shalt  }
0x48: {  	_ =	shalt  }
0x49: {  	_ =	shalt  }
0x4a: {  	_ =	shalt  }
0x4b: {  	_ =	shalt  }
0x4c: {  	_ =	shalt  }
0x4d: {  	_ =	shalt  }
0x4e: {  	_ =	shalt  }
0x4f: {  	_ =	shalt  }
0x50: {  	_ =	shalt  }
0x51: {  	_ =	shalt  }
0x52: {  	_ =	shalt  }
0x53: {  	_ =	shalt  }
0x54: {  	_ =	shalt  }
0x55: {  	_ =	shalt  }
0x56: {  	_ =	shalt  }
0x57: {  	_ =	shalt  }
0x58: {  	_ =	shalt  }
0x59: {  	_ =	shalt  }
0x5a: {  	_ =	shalt  }
0x5b: {  	_ =	shalt  }
0x5c: {  	_ =	shalt  }
0x5d: {  	_ =	shalt  }
0x5e: {  	_ =	shalt  }
0x5f: {  	_ =	shalt  }
0x60: {  	_ =	shalt  }
0x61: {  	_ =	shalt  }
0x62: {  	_ =	shalt  }
0x63: {  	_ =	shalt  }
0x64: {  	_ =	shalt  }
0x65: {  	_ =	shalt  }
0x66: {  	_ =	shalt  }
0x67: {  	_ =	shalt  }
0x68: {  	_ =	shalt  }
0x69: {  	_ =	shalt  }
0x6a: {  	_ =	shalt  }
0x6b: {  	_ =	shalt  }
0x6c: {  	_ =	shalt  }
0x6d: {  	_ =	shalt  }
0x6e: {  	_ =	shalt  }
0x6f: {  	_ =	shalt  }
0x70: {  	_ =	shalt  }
0x71: {  	_ =	shalt  }
0x72: {  	_ =	shalt  }
0x73: {  	_ =	shalt  }
0x74: {  	_ =	shalt  }
0x75: {  	_ =	shalt  }
0x76: {  	_ =	shalt  }
0x77: {  	_ =	shalt  }
0x78: {  	_ =	shalt  }
0x79: {  	_ =	shalt  }
0x7a: {  	_ =	shalt  }
0x7b: {  	_ =	shalt  }
0x7c: {  	_ =	shalt  }
0x7d: {  	_ =	shalt  }
0x7e: {  	_ =	shalt  }
0x7f: {  	_ =	shalt  }
0x80: {  	_ =	shalt  }
0x81: {  	_ =	shalt  }
0x82: {  	_ =	shalt  }
0x83: {  	_ =	shalt  }
0x84: {  	_ =	shalt  }
0x85: {  	_ =	shalt  }
0x86: {  	_ =	shalt  }
0x87: {  	_ =	shalt  }
.Lfunc_end0:
.L_simem_size_0:
called_computation_lowered:
.L_overlay_start_0:
0x88: {  	s2 =	sld [smem:$0x3FD9]  }
0x89: {  	s3 =	sld [smem:$0x3FFE];
	_ =	sdelay $0x1  }
0x8a: {  	s1 =	srdreg.scid  }
0x8b: {  	s0 =	sand.u32 $0x1, s1  }
0x8c: {  	s18 =	sshll.u32 s0, $0xA;
	s2 =	sadd.s32 s3, s2  }
0x8d: {  	s2 =	sadd.s32 s2, s18  }
0x8e: {  	[smem:$0x3FC6] =	sst s2  }
0x8f: {  	_ = 	snop  }
0x90: {  	s2 =	sld [smem:$0x3FC9]  }
0x91: {  	s19 =	sld [smem:$0x3FC8]  }
0x92: {  	s4 =	sld [smem:$0x3FD0];
	(tm) =	ssettm $0x1  }
0x93: {  	s5 =	sld [smem:$0x3FFB];
	_ =	sdelay $0x3  }
0x94: {  	_ =	strace s5  }
0x95: {  	s5 =	sld [smem:$0x3FFC];
	_ =	sdelay $0x3  }
0x96: {  	_ =	strace s5  }
0x97: {  	s5 =	sld [smem:$0x3FFD];
	_ =	sdelay $0x3  }
0x98: {  	_ =	strace s5  }
0x99: {  	_ =	strace $0x8FFFFFFF  }
0x9a: {  	s20 =	sld [smem:$0x3FDB];
	_ =	sdelay $0x1  }
0x9b: {  	s6 =	simm.s32 $_scs_section_size  }
0x9c: {  	s7 =	simm.s32 $_size__tile_overlayer_lowered;
	s8 =	simm.s32 $_tile_overlayer_lowered  }
0x9d: {  	s23 =	simm.s32 $0x1BFF;
	s22 =	sshll.u32 s8, $0x1;
	s5 =	sadd.s32 s6, s20  }
0x9e: {  	s9 =	simm.s32 $0x0;
	s21 =	sshll.u32 s7, $0x1;
	s7 =	sadd.s32 s22, s5  }
0x9f: {  	[timem:s9], [sflag:s23] =	dma.local [hbm:s7], s21  }
0xa0: {  	_ =	swait.ge [sflag:s23], s21  }
0xa1: {  	s6 =	ssub.s32 $0x0, s21;
	[sflag:s23] =	ssyncset.done $0x0  }
0xa2: {  	[sflag:s23] =	ssyncadd.s32 s6;
	_ =	sdelay $0x1  }
0xa3: {  	s24 =	simm.s32 $0x1B8B  }
0xa4: {  	_ =	swait.ge [sflag:s24], $0x1  }
0xa5: {  	[sflag:s24] =	ssyncset.done $0x0  }
0xa6: {  	s25 =	simm.s32 $0x1B8E;
	[sflag:s24] =	ssyncadd.s32 $0xFFFFFFFF  }
0xa7: {  	s26 =	simm.s32 $execute0_lowered;
	[smem:$0x3FD2] =	sst s25  }
0xa8: {  	s6 =	sshll.u32 s26, $0x1;
	_ =	strace $0x80000046;
	[dreg:$0x1] =	wrdreg $0xFFFFFFFF  }
0xa9: {  	s28 =	simm.s32 $_size_execute0_lowered;
	s5 =	sadd.s32 s5, s6;
	[dreg:$0x0] =	wrdreg $0x0  }
0xaa: {  	s6 =	sshll.u32 s28, $0x1;
	[dreg:$0x2] =	wrdreg s5  }
0xab: {  	[dreg:$0x3] =	wrdreg s6  }
0xac: {  	[dreg:$0x4] =	wrdreg $0xC0  }
0xad: {  	_ =	task [dreg:s9], $0x5FFFF  }
0xae: {  	[dreg:$0x1] =	wrdreg $0xFFFFFFFF  }
0xaf: {  	[dreg:$0x0] =	wrdreg $0x60  }
0xb0: {  	[dreg:$0x2] =	wrdreg s2  }
0xb1: {  	[dreg:$0x3] =	wrdreg s19  }
0xb2: {  	[dreg:$0x4] =	wrdreg s4  }
0xb3: {  	[dreg:$0x5] =	wrdreg $0x9  }
0xb4: {  	_ =	task.clear_ibuf [dreg:s9], $0x6FFFF;
	_ =	strace $0x90000046  }
0xb5: {  	s29 =	simm.s32 $0x9;
	_ =	strace $0x80000048  }
0xb6: {  	_ =	swait.ge [sflag:s29], $0x1  }
0xb7: {  	[sflag:s29] =	ssyncadd.s32 $0xFFFFFFFF  }
0xb8: {  	_ =	strace $0x90000048  }
0xb9: {  	_ =	sfence  }
0xba: {  	s30 =	sld [smem:$0x0];
	_ =	sdelay $0x2  }
0xbb: {  	s31 =	sshll.u32 s1, $0xD;
	s1 =	sshrl.u32 s1, $0x2  }
0xbc: {  	s3 =	sand.u32 $0x4000, s31;
	s1 =	sadd.s32 s1, s30  }
0xbd: {  	s0 =	sor.u32 s3, s0;
	s1 =	sshll.u32 s1, $0x11  }
0xbe: {  	s0 =	sor.u32 s1, s0  }
0xbf: {  	s0 =	sadd.s32 $0x8F2B, s0  }
0xc0: {  	[sflag:s0] =	ssyncadd.remote.s32 $0x1  }
0xc1: {  	_ =	sfence.sel $0xFFFF  }
0xc2: {  	[dreg:$0x0] =	wrdreg $0xFFFFFFFF;
	(pc) =	sbr.abs _section_cstart, $3  }
0xc3: {  	[dreg:$0x1] =	wrdreg $0xFFFFFFFF  }
0xc4: {  	_ =	task.clear_ibuf [dreg:s9], $0x2FFFF;
	_ =	strace $0x9FFFFFFF  }
0xc5: {  	(tm) =	ssettm $0x7FFFFFFF  }
tec
execute0_lowered:
.L_overlay_start_1:
0x0: {  	(tag) =	ssettag $0x1  }
0x1: {  	s1 =	srdreg.scid;
	s8 =	rddreg [dreg:$0x0]  }
0x2: {  	s0 =	stileid.u32;
	s2 =	rddreg [dreg:$0x1]  }
0x3: {  	s3 =	rddreg [dreg:$0x2];
	s5 =	simm.s32 $0x0;
	s13 =	simm.s32 $0x4  }
0x4: {  	s14 =	simm.s32 $0x4000;
	s15 =	simm.s32 $0x1;
	s16 =	simm.s32 $0x1C700  }
0x5: {  	s17 =	simm.s32 $0x1D700;
	s6 =	sand.u32 $0x1, s1;
	s26 =	sshll.u32 s0, $0x1  }
0x6: {  	s19 =	simm.s32 $0x3;
	s20 =	simm.s32 $0x0;
	s1 =	sor.u32 s6, s26  }
0x7: {  	[smem:$0x7FF] =	sst s5;
	s6 =	ssub.s32 $0x2, s6;
	s4 =	smul.u32 $0x1A, s1  }
0x8: {  	s1 =	rddreg [dreg:$0x3];
	_ =	strace $0x80000047;
	s9 =	sshrl.u32 s6, $0x1  }
0x9: {  	s9 =	ssub.s32 s6, s9;
	s7 =	sshrl.u32 s4, $0x5;
	s29 =	sshrl.u32 s4, $0x1  }
0xa: {  	s30 =	sshll.u32 s4, $0x6;
	s9 =	smax.u32 s9, $0x1;
	s10 =	sadd.s32 $0x1, s7  }
0xb: {  	s7 =	sand.u32 $0x70, s29;
	s6 =	sand.u32 $0xC000, s30;
	s28 =	sshll.u32 s10, $0x5  }
0xc: {  	s7 =	sadd.s32 s8, s7;
	s12 =	sshll.u32 s10, $0x4;
	s10 =	sshll.u32 s10, $0xB  }
0xd: {  	s18 =	ssub.s32 s28, s4;
	s6 =	sadd.s32 s6, s7;
	s31 =	sand.u32 $0x70, s12  }
.Ltmp0:
0xe: {  	s10 =	sand.u32 $0xFFFC000, s10;
	s12 =	simm.s32 $0x400;
	(pc) =	sbr.rel .LBB2_1-.Ltmp0, $4  }
0xf: {  	p0 =	slt.s32 s18, $0x1A;
	s11 =	smov.u32 s18;
	s8 =	sadd.s32 s8, s31  }
0x10: {  	p1 =	slt.s32 s18, $0x1;
	p2 =	sgt.s32 s18, $0x19;
	s11 =	simm.s32 @!p0 $0x1A  }
0x11: {  	p0 =	sgt.s32 s18, $0x0;
	s8 =	sadd.s32 s10, s8;
	s10 =	sadd.s32 $0x19, s4  }
0x12: {  	s18 =	simm.s32 $0x2;
	s7 =	sadd.s32 s4, s11;
	s11 =	simm.s32 $0x80  }
.LBB2_18:
0x13: {  	s20 =	sadd.s32 $0x1, s20  }
0x14: {  	_ =	swait.ge [sflag:s18], $0x1000;
	p3 =	sne.s32 s20, s9  }
.Ltmp1:
0x15: {  	[sflag:s18] =	ssyncset.done $0x0;
	(pc) =	sbr.rel @!p3 .LBB2_19-.Ltmp1, $4  }
0x16: {  	[sflag:s18] =	ssyncadd.s32 $0xFFFFF000  }
0x17: {  	_ =	swait.ge [sflag:s19], $0x1000  }
0x18: {  	[sflag:s19] =	ssyncset.done $0x0  }
0x19: {  	[sflag:s19] =	ssyncadd.s32 $0xFFFFF000  }
.LBB2_1:
.Ltmp2:
0x1a: {  	(pc) =	sbr.rel @p1 .LBB2_10-.Ltmp2, $4  }
0x1b: {  	[tilespmem:s5], [sflag:$0x4] =	stream.strided.gather [hbm4b:s6+s11], $0x4000, s12, s11, $0x38;
	[tilespmem:$0x1E700] =	vst v63  }
0x1c: {  	_ =	swait.ge [sflag:s13], $0x4000  }
0x1d: {  	[sflag:s13] =	ssyncset.done $0x0  }
0x1e: {  	p4 =	por $0x0, $0x0;
	s21 =	smov.u32 s4;
	[sflag:s13] =	ssyncadd.s32 $0xFFFFC000  }
.LBB2_2:
0x1f: {  	s22 =	sshrl.u32 s21, $0x3  }
0x20: {  	s23 =	sshll.u32 s21, $0x7;
	s24 =	smul.u32 $0xC3800, s22  }
0x21: {  	s23 =	sand.u32 $0x380, s23  }
0x22: {  	s24 =	sor.u32 s23, s24  }
0x23: {  	s24 =	sshrl.u32 s24, $0x3  }
0x24: {  	s22 =	sshll.u32 s22, $0x11;
	s24 =	sadd.s32 s2, s24  }
0x25: {  	[tilespmem:s14], [sflag:$0x1] =	stream.strided.gather [hbm4b:s24+s11], $0x18700, s12, s11, $0x38;
	[tilespmem:$0x1E700] =	vst v63  }
0x26: {  	s22 =	sor.u32 s23, s22;
	_ =	swait.ge [sflag:s15], $0x18700  }
0x27: {  	s25 =	simm.s32 $0x0;
	s23 =	sshrl.u32 s22, $0x3;
	[sflag:s15] =	ssyncset.done $0x0  }
0x28: {  	p5 =	por $0x1, $0x1;
	s23 =	sadd.s32 s3, s23;
	[sflag:s15] =	ssyncadd.s32 $0xFFFE7900  }
.LBB2_3:
0x29: {  	s26 =	simm.s32 @p4 $0x2  }
0x2a: {  	s24 =	sshll.u32 s25, $0xF;
	_ =	swait.ge @p4 [sflag:s26], $0x1000  }
0x2b: {  	s24 =	sshra.s32 s24, $0x2;
	[sflag:s26] =	ssyncset.done @p4 $0x0  }
0x2c: {  	s30 =	sor.u32 $0x40, s24;
	[sflag:s26] =	ssyncadd.s32 @p4 $0xFFFFF000  }
0x2d: {  	v0 =	vld [tilespmem:s30+$0x30]  }
0x2e: {  	v1 =	vld [tilespmem:s30+$0xFFFFFFD0]  }
0x2f: {  	v2 =	vld [tilespmem:s30+$0xFFFFFFE0]  }
0x30: {  	v3 =	vld [tilespmem:s30+$0xFFFFFFF0]  }
0x31: {  	v4 =	vld [tilespmem:s30+$0x0]  }
0x32: {  	v5 =	vld [tilespmem:s30+$0x10];
	v0 =	vadd.s32 $0x1, v0  }
0x33: {  	v1 =	vadd.s32 $0x1, v1  }
0x34: {  	v2 =	vadd.s32 $0x1, v2  }
0x35: {  	v6 =	vld [tilespmem:s30+$0x20];
	v3 =	vadd.s32 $0x1, v3  }
0x36: {  	v8 =	vld [tilespmem:s30+$0xFFFFFFC0];
	v9 =	vadd.s32 $0x1, v4  }
0x37: {  	v10 =	vadd.s32 $0x1, v5;
	v7 =	vld.idx.msk [tilespmem:v0+s14+$0x0], $0xffff  }
0x38: {  	v4 =	vld.idx.msk [tilespmem:v1+s14+$0x0], $0xffff  }
0x39: {  	v5 =	vld.idx.msk [tilespmem:v2+s14+$0x0], $0xffff  }
0x3a: {  	v2 =	vld.idx.msk [tilespmem:v3+s14+$0x0], $0xffff  }
0x3b: {  	p3 =	por p5, p5;
	s28 =	simm.s32 $0x1C740;
	v3 =	vld.idx.msk [tilespmem:v9+s14+$0x0], $0xffff  }
0x3c: {  	s29 =	simm.s32 $0x0;
	s26 =	sshll.u32 s25, $0xD;
	s30 =	sadd.s32 $0x80, s30;
	v0 =	vadd.s32 $0x1, v6;
	v1 =	vadd.s32 $0x1, v8;
	v6 =	vld.idx.msk [tilespmem:v10+s14+$0x0], $0xffff  }
.LBB2_4:
0x3d: {  	v8 =	vld [tilespmem:s30+$0x30];
	s29 =	sadd.s32 $0x8, s29;
	[tilespmem:s28+$0x30] =	vst v7  }
0x3e: {  	v7 =	vld [tilespmem:s30+$0xFFFFFFD0];
	p5 =	slt.u32 s29, $0xF8;
	[tilespmem:s28+$0xFFFFFFD0] =	vst v4  }
0x3f: {  	v4 =	vld [tilespmem:s30+$0xFFFFFFE0];
	[tilespmem:s28+$0xFFFFFFE0] =	vst v5  }
0x40: {  	v5 =	vld [tilespmem:s30+$0xFFFFFFF0];
	[tilespmem:s28+$0xFFFFFFF0] =	vst v2  }
0x41: {  	v2 =	vld [tilespmem:s30+$0x0];
	[tilespmem:s28+$0x0] =	vst v3  }
0x42: {  	v3 =	vld [tilespmem:s30+$0x10];
	v8 =	vadd.s32 $0x1, v8;
	[tilespmem:s28+$0x10] =	vst v6  }
0x43: {  	v6 =	vadd.s32 $0x1, v7;
	v9 =	vld [tilespmem:s30+$0x20]  }
0x44: {  	v10 =	vld [tilespmem:s30+$0xFFFFFFC0];
	v11 =	vadd.s32 $0x1, v4  }
0x45: {  	v12 =	vadd.s32 $0x1, v5;
	v13 =	vld.idx.msk [tilespmem:v1+s14+$0x0], $0xffff  }
0x46: {  	v14 =	vadd.s32 $0x1, v2;
	v15 =	vld.idx.msk [tilespmem:v0+s14+$0x0], $0xffff  }
0x47: {  	v16 =	vadd.s32 $0x1, v3;
	v7 =	vld.idx.msk [tilespmem:v8+s14+$0x0], $0xffff  }
.Ltmp3:
0x48: {  	v4 =	vld.idx.msk [tilespmem:v6+s14+$0x0], $0xffff;
	v0 =	vadd.s32 $0x1, v9;
	(pc) =	sbr.rel @p5 .LBB2_4-.Ltmp3, $4  }
0x49: {  	v1 =	vadd.s32 $0x1, v10;
	v5 =	vld.idx.msk [tilespmem:v11+s14+$0x0], $0xffff  }
0x4a: {  	v2 =	vld.idx.msk [tilespmem:v12+s14+$0x0], $0xffff  }
0x4b: {  	v3 =	vld.idx.msk [tilespmem:v14+s14+$0x0], $0xffff;
	[tilespmem:s28+$0xFFFFFFC0] =	vst v13  }
0x4c: {  	s30 =	sadd.s32 $0x80, s30;
	v6 =	vld.idx.msk [tilespmem:v16+s14+$0x0], $0xffff;
	[tilespmem:s28+$0x20] =	vst v15;
	s28 =	sadd.s32 $0x80, s28  }
0x4d: {  	_ =	sdelay $0x2  }
0x4e: {  	[tilespmem:s28+$0x30] =	vst v7  }
0x4f: {  	[tilespmem:s28+$0xFFFFFFD0] =	vst v4;
	v1 =	vld.idx.msk [tilespmem:v1+s14+$0x0], $0xffff  }
0x50: {  	v0 =	vld.idx.msk [tilespmem:v0+s14+$0x0], $0xffff;
	[tilespmem:s28+$0xFFFFFFE0] =	vst v5  }
0x51: {  	[tilespmem:s28+$0xFFFFFFF0] =	vst v2  }
0x52: {  	s25 =	sshll.u32 s25, $0x10;
	[tilespmem:s28+$0x0] =	vst v3  }
0x53: {  	s25 =	sor.u32 s22, s25;
	[tilespmem:s28+$0x10] =	vst v6  }
0x54: {  	s25 =	sshrl.u32 s25, $0x3;
	[tilespmem:s28+$0xFFFFFFC0] =	vst v1  }
0x55: {  	s25 =	sadd.s32 s3, s25;
	[tilespmem:s28+$0x20] =	vst v0  }
0x56: {  	[hbm4b:s25+s11] =	stream.strided.scatter [tilespmem:s16], [sflag:$0x2], $0x1000, s12, s11, $0x38;
	[tilespmem:$0x1E700] =	vst v63  }
0x57: {  	s25 =	simm.s32 @p4 $0x3  }
0x58: {  	_ =	swait.ge @p4 [sflag:s25], $0x1000  }
0x59: {  	[sflag:s25] =	ssyncset.done @p4 $0x0  }
0x5a: {  	s28 =	sadd.s32 $0x1070, s24;
	[sflag:s25] =	ssyncadd.s32 @p4 $0xFFFFF000  }
0x5b: {  	v0 =	vld [tilespmem:s28+$0x0]  }
0x5c: {  	v1 =	vld [tilespmem:s28+$0xFFFFFFA0]  }
0x5d: {  	v2 =	vld [tilespmem:s28+$0xFFFFFFB0]  }
0x5e: {  	v3 =	vld [tilespmem:s28+$0xFFFFFFC0]  }
0x5f: {  	v4 =	vld [tilespmem:s28+$0xFFFFFFD0]  }
0x60: {  	v5 =	vld [tilespmem:s28+$0xFFFFFFE0];
	v0 =	vadd.s32 $0x1, v0  }
0x61: {  	v1 =	vadd.s32 $0x1, v1  }
0x62: {  	v2 =	vadd.s32 $0x1, v2  }
0x63: {  	v6 =	vld [tilespmem:s28+$0xFFFFFFF0];
	v3 =	vadd.s32 $0x1, v3  }
0x64: {  	v8 =	vld [tilespmem:s28+$0xFFFFFF90];
	v9 =	vadd.s32 $0x1, v4  }
0x65: {  	v10 =	vadd.s32 $0x1, v5;
	v7 =	vld.idx.msk [tilespmem:v0+s14+$0x0], $0xffff  }
0x66: {  	v4 =	vld.idx.msk [tilespmem:v1+s14+$0x0], $0xffff  }
0x67: {  	v5 =	vld.idx.msk [tilespmem:v2+s14+$0x0], $0xffff  }
0x68: {  	v2 =	vld.idx.msk [tilespmem:v3+s14+$0x0], $0xffff  }
0x69: {  	s24 =	sor.u32 $0x1000, s26;
	v3 =	vld.idx.msk [tilespmem:v9+s14+$0x0], $0xffff  }
0x6a: {  	s26 =	simm.s32 $0x0;
	s25 =	simm.s32 $0x1D740;
	s28 =	sadd.s32 $0x80, s28;
	v0 =	vadd.s32 $0x1, v6;
	v1 =	vadd.s32 $0x1, v8;
	v6 =	vld.idx.msk [tilespmem:v10+s14+$0x0], $0xffff  }
.LBB2_6:
0x6b: {  	v8 =	vld [tilespmem:s28+$0x0];
	s26 =	sadd.s32 $0x8, s26;
	[tilespmem:s25+$0x30] =	vst v7  }
0x6c: {  	v7 =	vld [tilespmem:s28+$0xFFFFFFA0];
	p4 =	slt.u32 s26, $0xF8;
	[tilespmem:s25+$0xFFFFFFD0] =	vst v4  }
0x6d: {  	v4 =	vld [tilespmem:s28+$0xFFFFFFB0];
	[tilespmem:s25+$0xFFFFFFE0] =	vst v5  }
0x6e: {  	v5 =	vld [tilespmem:s28+$0xFFFFFFC0];
	[tilespmem:s25+$0xFFFFFFF0] =	vst v2  }
0x6f: {  	v2 =	vld [tilespmem:s28+$0xFFFFFFD0];
	[tilespmem:s25+$0x0] =	vst v3  }
0x70: {  	v3 =	vld [tilespmem:s28+$0xFFFFFFE0];
	v8 =	vadd.s32 $0x1, v8;
	[tilespmem:s25+$0x10] =	vst v6  }
0x71: {  	v6 =	vadd.s32 $0x1, v7;
	v9 =	vld [tilespmem:s28+$0xFFFFFFF0]  }
0x72: {  	v10 =	vld [tilespmem:s28+$0xFFFFFF90];
	v11 =	vadd.s32 $0x1, v4  }
0x73: {  	v12 =	vadd.s32 $0x1, v5;
	v13 =	vld.idx.msk [tilespmem:v1+s14+$0x0], $0xffff  }
0x74: {  	v14 =	vadd.s32 $0x1, v2;
	v15 =	vld.idx.msk [tilespmem:v0+s14+$0x0], $0xffff  }
0x75: {  	v16 =	vadd.s32 $0x1, v3;
	v7 =	vld.idx.msk [tilespmem:v8+s14+$0x0], $0xffff  }
.Ltmp4:
0x76: {  	v4 =	vld.idx.msk [tilespmem:v6+s14+$0x0], $0xffff;
	v0 =	vadd.s32 $0x1, v9;
	(pc) =	sbr.rel @p4 .LBB2_6-.Ltmp4, $4  }
0x77: {  	v1 =	vadd.s32 $0x1, v10;
	v5 =	vld.idx.msk [tilespmem:v11+s14+$0x0], $0xffff  }
0x78: {  	v2 =	vld.idx.msk [tilespmem:v12+s14+$0x0], $0xffff  }
0x79: {  	v3 =	vld.idx.msk [tilespmem:v14+s14+$0x0], $0xffff;
	[tilespmem:s25+$0xFFFFFFC0] =	vst v13  }
0x7a: {  	s28 =	sadd.s32 $0x80, s28;
	v6 =	vld.idx.msk [tilespmem:v16+s14+$0x0], $0xffff;
	[tilespmem:s25+$0x20] =	vst v15;
	s25 =	sadd.s32 $0x80, s25  }
0x7b: {  	_ =	sdelay $0x2  }
0x7c: {  	[tilespmem:s25+$0x30] =	vst v7  }
0x7d: {  	[tilespmem:s25+$0xFFFFFFD0] =	vst v4;
	v1 =	vld.idx.msk [tilespmem:v1+s14+$0x0], $0xffff  }
0x7e: {  	v0 =	vld.idx.msk [tilespmem:v0+s14+$0x0], $0xffff;
	[tilespmem:s25+$0xFFFFFFE0] =	vst v5  }
0x7f: {  	[tilespmem:s25+$0xFFFFFFF0] =	vst v2  }
.Ltmp5:
0x80: {  	[tilespmem:s25+$0x0] =	vst v3;
	(pc) =	sbr.rel @p3 .LBB2_3-.Ltmp5, $4  }
0x81: {  	[tilespmem:s25+$0x10] =	vst v6  }
0x82: {  	s24 =	sadd.s32 s23, s24;
	[tilespmem:s25+$0xFFFFFFC0] =	vst v1  }
0x83: {  	p5 =	por $0x0, $0x0;
	p4 =	por $0x1, $0x1;
	[tilespmem:s25+$0x20] =	vst v0;
	s25 =	simm.s32 $0x1  }
0x84: {  	[hbm4b:s24+s11] =	stream.strided.scatter [tilespmem:s17], [sflag:$0x3], $0x1000, s12, s11, $0x38;
	[tilespmem:$0x1E700] =	vst v63  }
0x85: {  	s21 =	sadd.s32 $0x1, s21  }
0x86: {  	p3 =	slt.s32 s21, s7  }
.Ltmp6:
0x87: {  	_ = 	snop;
	(pc) =	sbr.rel @p3 .LBB2_2-.Ltmp6, $2  }
0x88: {  	_ =	sdelay $0x2  }
0x89: {  	p4 =	por $0x1, $0x1  }
.Ltmp7:
0x8a: {  	(pc) =	sbr.rel @p2 .LBB2_18-.Ltmp7, $1  }
0x8b: {  	_ =	sdelay $0x3  }
.LBB2_10:
0x8c: {  	[tilespmem:s5], [sflag:$0x4] =	stream.strided.gather [hbm4b:s8+s11], $0x4000, s12, s11, $0x38;
	[tilespmem:$0x1E700] =	vst v63  }
0x8d: {  	_ =	swait.ge [sflag:s13], $0x4000  }
0x8e: {  	[sflag:s13] =	ssyncset.done $0x0  }
0x8f: {  	p4 =	por p0, p0;
	s21 =	smov.u32 s7;
	[sflag:s13] =	ssyncadd.s32 $0xFFFFC000  }
.LBB2_11:
0x90: {  	s22 =	sshrl.u32 s21, $0x3  }
0x91: {  	s23 =	sshll.u32 s21, $0x7;
	s24 =	smul.u32 $0xC3800, s22  }
0x92: {  	s23 =	sand.u32 $0x380, s23  }
0x93: {  	s24 =	sor.u32 s23, s24  }
0x94: {  	s24 =	sshrl.u32 s24, $0x3  }
0x95: {  	s22 =	sshll.u32 s22, $0x11;
	s24 =	sadd.s32 s2, s24  }
0x96: {  	[tilespmem:s14], [sflag:$0x1] =	stream.strided.gather [hbm4b:s24+s11], $0x18700, s12, s11, $0x38;
	[tilespmem:$0x1E700] =	vst v63  }
0x97: {  	s22 =	sor.u32 s23, s22;
	_ =	swait.ge [sflag:s15], $0x18700  }
0x98: {  	s25 =	simm.s32 $0x0;
	s23 =	sshrl.u32 s22, $0x3;
	[sflag:s15] =	ssyncset.done $0x0  }
0x99: {  	p5 =	por $0x1, $0x1;
	s23 =	sadd.s32 s3, s23;
	[sflag:s15] =	ssyncadd.s32 $0xFFFE7900  }
.LBB2_12:
0x9a: {  	s26 =	simm.s32 @p4 $0x2  }
0x9b: {  	s24 =	sshll.u32 s25, $0xF;
	_ =	swait.ge @p4 [sflag:s26], $0x1000  }
0x9c: {  	s24 =	sshra.s32 s24, $0x2;
	[sflag:s26] =	ssyncset.done @p4 $0x0  }
0x9d: {  	s30 =	sor.u32 $0x40, s24;
	[sflag:s26] =	ssyncadd.s32 @p4 $0xFFFFF000  }
0x9e: {  	v0 =	vld [tilespmem:s30+$0x30]  }
0x9f: {  	v1 =	vld [tilespmem:s30+$0xFFFFFFD0]  }
0xa0: {  	v2 =	vld [tilespmem:s30+$0xFFFFFFE0]  }
0xa1: {  	v3 =	vld [tilespmem:s30+$0xFFFFFFF0]  }
0xa2: {  	v4 =	vld [tilespmem:s30+$0x0]  }
0xa3: {  	v5 =	vld [tilespmem:s30+$0x10];
	v0 =	vadd.s32 $0x1, v0  }
0xa4: {  	v1 =	vadd.s32 $0x1, v1  }
0xa5: {  	v2 =	vadd.s32 $0x1, v2  }
0xa6: {  	v6 =	vld [tilespmem:s30+$0x20];
	v3 =	vadd.s32 $0x1, v3  }
0xa7: {  	v8 =	vld [tilespmem:s30+$0xFFFFFFC0];
	v9 =	vadd.s32 $0x1, v4  }
0xa8: {  	v10 =	vadd.s32 $0x1, v5;
	v7 =	vld.idx.msk [tilespmem:v0+s14+$0x0], $0xffff  }
0xa9: {  	v4 =	vld.idx.msk [tilespmem:v1+s14+$0x0], $0xffff  }
0xaa: {  	v5 =	vld.idx.msk [tilespmem:v2+s14+$0x0], $0xffff  }
0xab: {  	v2 =	vld.idx.msk [tilespmem:v3+s14+$0x0], $0xffff  }
0xac: {  	p3 =	por p5, p5;
	s28 =	simm.s32 $0x1C740;
	v3 =	vld.idx.msk [tilespmem:v9+s14+$0x0], $0xffff  }
0xad: {  	s29 =	simm.s32 $0x0;
	s26 =	sshll.u32 s25, $0xD;
	s30 =	sadd.s32 $0x80, s30;
	v0 =	vadd.s32 $0x1, v6;
	v1 =	vadd.s32 $0x1, v8;
	v6 =	vld.idx.msk [tilespmem:v10+s14+$0x0], $0xffff  }
.LBB2_13:
0xae: {  	v8 =	vld [tilespmem:s30+$0x30];
	s29 =	sadd.s32 $0x8, s29;
	[tilespmem:s28+$0x30] =	vst v7  }
0xaf: {  	v7 =	vld [tilespmem:s30+$0xFFFFFFD0];
	p5 =	slt.u32 s29, $0xF8;
	[tilespmem:s28+$0xFFFFFFD0] =	vst v4  }
0xb0: {  	v4 =	vld [tilespmem:s30+$0xFFFFFFE0];
	[tilespmem:s28+$0xFFFFFFE0] =	vst v5  }
0xb1: {  	v5 =	vld [tilespmem:s30+$0xFFFFFFF0];
	[tilespmem:s28+$0xFFFFFFF0] =	vst v2  }
0xb2: {  	v2 =	vld [tilespmem:s30+$0x0];
	[tilespmem:s28+$0x0] =	vst v3  }
0xb3: {  	v3 =	vld [tilespmem:s30+$0x10];
	v8 =	vadd.s32 $0x1, v8;
	[tilespmem:s28+$0x10] =	vst v6  }
0xb4: {  	v6 =	vadd.s32 $0x1, v7;
	v9 =	vld [tilespmem:s30+$0x20]  }
0xb5: {  	v10 =	vld [tilespmem:s30+$0xFFFFFFC0];
	v11 =	vadd.s32 $0x1, v4  }
0xb6: {  	v12 =	vadd.s32 $0x1, v5;
	v13 =	vld.idx.msk [tilespmem:v1+s14+$0x0], $0xffff  }
0xb7: {  	v14 =	vadd.s32 $0x1, v2;
	v15 =	vld.idx.msk [tilespmem:v0+s14+$0x0], $0xffff  }
0xb8: {  	v16 =	vadd.s32 $0x1, v3;
	v7 =	vld.idx.msk [tilespmem:v8+s14+$0x0], $0xffff  }
.Ltmp8:
0xb9: {  	v4 =	vld.idx.msk [tilespmem:v6+s14+$0x0], $0xffff;
	v0 =	vadd.s32 $0x1, v9;
	(pc) =	sbr.rel @p5 .LBB2_13-.Ltmp8, $4  }
0xba: {  	v1 =	vadd.s32 $0x1, v10;
	v5 =	vld.idx.msk [tilespmem:v11+s14+$0x0], $0xffff  }
0xbb: {  	v2 =	vld.idx.msk [tilespmem:v12+s14+$0x0], $0xffff  }
0xbc: {  	v3 =	vld.idx.msk [tilespmem:v14+s14+$0x0], $0xffff;
	[tilespmem:s28+$0xFFFFFFC0] =	vst v13  }
0xbd: {  	s30 =	sadd.s32 $0x80, s30;
	v6 =	vld.idx.msk [tilespmem:v16+s14+$0x0], $0xffff;
	[tilespmem:s28+$0x20] =	vst v15;
	s28 =	sadd.s32 $0x80, s28  }
0xbe: {  	_ =	sdelay $0x2  }
0xbf: {  	[tilespmem:s28+$0x30] =	vst v7  }
0xc0: {  	[tilespmem:s28+$0xFFFFFFD0] =	vst v4;
	v1 =	vld.idx.msk [tilespmem:v1+s14+$0x0], $0xffff  }
0xc1: {  	v0 =	vld.idx.msk [tilespmem:v0+s14+$0x0], $0xffff;
	[tilespmem:s28+$0xFFFFFFE0] =	vst v5  }
0xc2: {  	[tilespmem:s28+$0xFFFFFFF0] =	vst v2  }
0xc3: {  	s25 =	sshll.u32 s25, $0x10;
	[tilespmem:s28+$0x0] =	vst v3  }
0xc4: {  	s25 =	sor.u32 s22, s25;
	[tilespmem:s28+$0x10] =	vst v6  }
0xc5: {  	s25 =	sshrl.u32 s25, $0x3;
	[tilespmem:s28+$0xFFFFFFC0] =	vst v1  }
0xc6: {  	s25 =	sadd.s32 s3, s25;
	[tilespmem:s28+$0x20] =	vst v0  }
0xc7: {  	[hbm4b:s25+s11] =	stream.strided.scatter [tilespmem:s16], [sflag:$0x2], $0x1000, s12, s11, $0x38;
	[tilespmem:$0x1E700] =	vst v63  }
0xc8: {  	s25 =	simm.s32 @p4 $0x3  }
0xc9: {  	_ =	swait.ge @p4 [sflag:s25], $0x1000  }
0xca: {  	[sflag:s25] =	ssyncset.done @p4 $0x0  }
0xcb: {  	s28 =	sadd.s32 $0x1070, s24;
	[sflag:s25] =	ssyncadd.s32 @p4 $0xFFFFF000  }
0xcc: {  	v0 =	vld [tilespmem:s28+$0x0]  }
0xcd: {  	v1 =	vld [tilespmem:s28+$0xFFFFFFA0]  }
0xce: {  	v2 =	vld [tilespmem:s28+$0xFFFFFFB0]  }
0xcf: {  	v3 =	vld [tilespmem:s28+$0xFFFFFFC0]  }
0xd0: {  	v4 =	vld [tilespmem:s28+$0xFFFFFFD0]  }
0xd1: {  	v5 =	vld [tilespmem:s28+$0xFFFFFFE0];
	v0 =	vadd.s32 $0x1, v0  }
0xd2: {  	v1 =	vadd.s32 $0x1, v1  }
0xd3: {  	v2 =	vadd.s32 $0x1, v2  }
0xd4: {  	v6 =	vld [tilespmem:s28+$0xFFFFFFF0];
	v3 =	vadd.s32 $0x1, v3  }
0xd5: {  	v8 =	vld [tilespmem:s28+$0xFFFFFF90];
	v9 =	vadd.s32 $0x1, v4  }
0xd6: {  	v10 =	vadd.s32 $0x1, v5;
	v7 =	vld.idx.msk [tilespmem:v0+s14+$0x0], $0xffff  }
0xd7: {  	v4 =	vld.idx.msk [tilespmem:v1+s14+$0x0], $0xffff  }
0xd8: {  	v5 =	vld.idx.msk [tilespmem:v2+s14+$0x0], $0xffff  }
0xd9: {  	v2 =	vld.idx.msk [tilespmem:v3+s14+$0x0], $0xffff  }
0xda: {  	s24 =	sor.u32 $0x1000, s26;
	v3 =	vld.idx.msk [tilespmem:v9+s14+$0x0], $0xffff  }
0xdb: {  	s26 =	simm.s32 $0x0;
	s25 =	simm.s32 $0x1D740;
	s28 =	sadd.s32 $0x80, s28;
	v0 =	vadd.s32 $0x1, v6;
	v1 =	vadd.s32 $0x1, v8;
	v6 =	vld.idx.msk [tilespmem:v10+s14+$0x0], $0xffff  }
.LBB2_15:
0xdc: {  	v8 =	vld [tilespmem:s28+$0x0];
	s26 =	sadd.s32 $0x8, s26;
	[tilespmem:s25+$0x30] =	vst v7  }
0xdd: {  	v7 =	vld [tilespmem:s28+$0xFFFFFFA0];
	p4 =	slt.u32 s26, $0xF8;
	[tilespmem:s25+$0xFFFFFFD0] =	vst v4  }
0xde: {  	v4 =	vld [tilespmem:s28+$0xFFFFFFB0];
	[tilespmem:s25+$0xFFFFFFE0] =	vst v5  }
0xdf: {  	v5 =	vld [tilespmem:s28+$0xFFFFFFC0];
	[tilespmem:s25+$0xFFFFFFF0] =	vst v2  }
0xe0: {  	v2 =	vld [tilespmem:s28+$0xFFFFFFD0];
	[tilespmem:s25+$0x0] =	vst v3  }
0xe1: {  	v3 =	vld [tilespmem:s28+$0xFFFFFFE0];
	v8 =	vadd.s32 $0x1, v8;
	[tilespmem:s25+$0x10] =	vst v6  }
0xe2: {  	v6 =	vadd.s32 $0x1, v7;
	v9 =	vld [tilespmem:s28+$0xFFFFFFF0]  }
0xe3: {  	v10 =	vld [tilespmem:s28+$0xFFFFFF90];
	v11 =	vadd.s32 $0x1, v4  }
0xe4: {  	v12 =	vadd.s32 $0x1, v5;
	v13 =	vld.idx.msk [tilespmem:v1+s14+$0x0], $0xffff  }
0xe5: {  	v14 =	vadd.s32 $0x1, v2;
	v15 =	vld.idx.msk [tilespmem:v0+s14+$0x0], $0xffff  }
0xe6: {  	v16 =	vadd.s32 $0x1, v3;
	v7 =	vld.idx.msk [tilespmem:v8+s14+$0x0], $0xffff  }
.Ltmp9:
0xe7: {  	v4 =	vld.idx.msk [tilespmem:v6+s14+$0x0], $0xffff;
	v0 =	vadd.s32 $0x1, v9;
	(pc) =	sbr.rel @p4 .LBB2_15-.Ltmp9, $4  }
0xe8: {  	v1 =	vadd.s32 $0x1, v10;
	v5 =	vld.idx.msk [tilespmem:v11+s14+$0x0], $0xffff  }
0xe9: {  	v2 =	vld.idx.msk [tilespmem:v12+s14+$0x0], $0xffff  }
0xea: {  	v3 =	vld.idx.msk [tilespmem:v14+s14+$0x0], $0xffff;
	[tilespmem:s25+$0xFFFFFFC0] =	vst v13  }
0xeb: {  	s28 =	sadd.s32 $0x80, s28;
	v6 =	vld.idx.msk [tilespmem:v16+s14+$0x0], $0xffff;
	[tilespmem:s25+$0x20] =	vst v15;
	s25 =	sadd.s32 $0x80, s25  }
0xec: {  	_ =	sdelay $0x2  }
0xed: {  	[tilespmem:s25+$0x30] =	vst v7  }
0xee: {  	[tilespmem:s25+$0xFFFFFFD0] =	vst v4;
	v1 =	vld.idx.msk [tilespmem:v1+s14+$0x0], $0xffff  }
0xef: {  	v0 =	vld.idx.msk [tilespmem:v0+s14+$0x0], $0xffff;
	[tilespmem:s25+$0xFFFFFFE0] =	vst v5  }
0xf0: {  	[tilespmem:s25+$0xFFFFFFF0] =	vst v2  }
.Ltmp10:
0xf1: {  	[tilespmem:s25+$0x0] =	vst v3;
	(pc) =	sbr.rel @p3 .LBB2_12-.Ltmp10, $4  }
0xf2: {  	[tilespmem:s25+$0x10] =	vst v6  }
0xf3: {  	s24 =	sadd.s32 s23, s24;
	[tilespmem:s25+$0xFFFFFFC0] =	vst v1  }
0xf4: {  	p5 =	por $0x0, $0x0;
	p4 =	por $0x1, $0x1;
	[tilespmem:s25+$0x20] =	vst v0;
	s25 =	simm.s32 $0x1  }
0xf5: {  	[hbm4b:s24+s11] =	stream.strided.scatter [tilespmem:s17], [sflag:$0x3], $0x1000, s12, s11, $0x38;
	[tilespmem:$0x1E700] =	vst v63  }
0xf6: {  	p3 =	slt.s32 s21, s10  }
.Ltmp11:
0xf7: {  	_ = 	snop;
	(pc) =	sbr.rel @p3 .LBB2_11-.Ltmp11, $4  }
.Ltmp12:
0xf8: {  	_ = 	snop;
	(pc) =	sbr.rel @!p3 .LBB2_18-.Ltmp12, $4  }
0xf9: {  	_ = 	snop  }
0xfa: {  	s22 =	sadd.s32 $0x1, s21  }
0xfb: {  	p4 =	por $0x1, $0x1;
	s21 =	smov.u32 s22  }
0xfc: {  	_ = 	snop  }
.LBB2_19:
0xfd: {  	_ =	sfence.sel $0x180000  }
0xfe: {  	[bflag:$0x0] =	sbarrier.arrive $0xFFFF  }
0xff: {  	p0 =	sne.s32 s0, $0x0;
	_ =	strace $0x90000047  }
0x100: {  	s0 =	sadd.s32 @!p0 $0x100000, s1;
	[bflag:$0x2] =	sbarrier.arrive $0xFFFF  }
0x101: {  	[sflag:s0] =	ssyncadd.tile.s32 @!p0 $0x1;
	_ =	shalt  }
.Lfunc_end2:
_tile_overlayer_lowered:
.L_overlay_start_2:
0x102: {  	(tag) =	ssettag $0x2  }
0x103: {  	s0 =	rddreg [dreg:$0x0];
	s2 =	stileid.u32  }
0x104: {  	s1 =	rddreg [dreg:$0x1];
	p0 =	sne.s32 s2, $0x0  }
0x105: {  	s3 =	rddreg [dreg:$0x2];
	[bflag:$0x3] =	sbarrier.arrive $0xFFFF;
	s2 =	simm.s32 @!p0 $0x1C04  }
0x106: {  	[timem:s3], [sflag:s2] =	dma.local @!p0 [hbm:s0], s1  }
0x107: {  	s0 =	simm.s32 @!p0 $0x4  }
0x108: {  	_ =	swait.ge @!p0 [sflag:s0], s1  }
0x109: {  	s1 =	ssub.s32 @!p0 $0x0, s1;
	[sflag:s0] =	ssyncset.done @!p0 $0x0  }
0x10a: {  	[sflag:s0] =	ssyncadd.s32 @!p0 s1  }
0x10b: {  	[bflag:$0x3] =	sbarrier.arrive $0xFFFF  }
0x10c: {  	_ =	shalt  }

</sc_bundles>
